<compile_context>
chip_gen: v7x
topology: tpu7x:2x2x1
jax: 0.10.2.dev20260603
libtpu: 0.0.44.dev20260713+nightly
codegen_flags: <defaults>
</compile_context>

<pallas_src>
import functools

import jax
import jax.numpy as jnp
from jax import lax
from jax.experimental import pallas as pl
from jax.experimental.pallas import tpu as pltpu
from jax.experimental.pallas import tpu_sc as plsc

B = 16384
D = 64
DP = 2 * D
E_ROWS = 100000
PREP_W = 1024
N_PREP = 98
ENT2_ROWS = N_PREP * (PREP_W // 2)
REL2_ROWS = N_PREP * PREP_W
NC, NS = 2, 16
NW = NC * NS
PER_W = B // NW
CHUNK = 256
IDX_CHUNK = 128
TC_BLK = 2048
NB = B // TC_BLK


def _mxu_t(x):
    eye = jax.lax.broadcasted_iota(jnp.int32, (D, D), 0) == \
        jax.lax.broadcasted_iota(jnp.int32, (D, D), 1)
    return jax.lax.dot_general(
        x, eye.astype(jnp.float32), (((0,), (0,)), ((), ())),
        preferred_element_type=jnp.float32)


def _ent_prep_body(et_r, ent_o):
    t = _mxu_t(et_r[...])
    ent_o[:, :D] = t[: PREP_W // 2]
    ent_o[:, D:] = t[PREP_W // 2:]


def _rel_prep_body(rnt_r, rht_r, rel_o):
    rel_o[:, :D] = _mxu_t(rnt_r[...])
    rel_o[:, D:] = _mxu_t(rht_r[...])


_PREP_PARAMS = pltpu.CompilerParams(dimension_semantics=("parallel",))


def _ent_prep(et):
    return pl.pallas_call(
        _ent_prep_body,
        grid=(N_PREP,),
        in_specs=[pl.BlockSpec((D, PREP_W), lambda i: (0, i))],
        out_specs=pl.BlockSpec((PREP_W // 2, DP), lambda i: (i, 0)),
        out_shape=jax.ShapeDtypeStruct((ENT2_ROWS, DP), jnp.float32),
        compiler_params=_PREP_PARAMS,
    )(et)


def _rel_prep(rnt, rht):
    return pl.pallas_call(
        _rel_prep_body,
        grid=(N_PREP,),
        in_specs=[pl.BlockSpec((D, PREP_W), lambda i: (0, i))] * 2,
        out_specs=pl.BlockSpec((PREP_W, DP), lambda i: (i, 0)),
        out_shape=jax.ShapeDtypeStruct((REL2_ROWS, DP), jnp.float32),
        compiler_params=_PREP_PARAMS,
    )(rnt, rht)


def _make_sc_gather(n_sets, table_rows):
    mesh = plsc.VectorSubcoreMesh(core_axis_name="c", subcore_axis_name="s")
    row_t = jax.ShapeDtypeStruct((B, DP), jnp.float32)
    n_items = n_sets * (PER_W // CHUNK)

    @functools.partial(
        pl.kernel,
        mesh=mesh,
        out_type=[row_t] * n_sets,
        scratch_types=[
            pltpu.VMEM((n_sets * PER_W,), jnp.int32),
            pltpu.VMEM((CHUNK, DP), jnp.float32),
            pltpu.VMEM((CHUNK, DP), jnp.float32),
            pltpu.SemaphoreType.DMA,
            pltpu.SemaphoreType.DMA,
            pltpu.SemaphoreType.DMA,
        ],
        compiler_params=pltpu.CompilerParams(use_tc_tiling_on_sc=True),
    )
    def k(*refs):
        idx_hbms = refs[:n_sets]
        tab_hbm = refs[n_sets]
        outs = refs[n_sets + 1:2 * n_sets + 1]
        idx_v, buf0, buf1, gsem0, gsem1, ssem = refs[2 * n_sets + 1:]
        wid = lax.axis_index("s") * NC + lax.axis_index("c")
        base = wid * PER_W
        bufs = (buf0, buf1)
        gsems = (gsem0, gsem1)

        icopies = [
            pltpu.async_copy(src.at[pl.ds(base, PER_W)],
                             idx_v.at[pl.ds(s * PER_W, PER_W)], ssem)
            for s, src in enumerate(idx_hbms)
        ]
        for cp in icopies:
            cp.wait()

        def fire(item, buf, gsem):
            st, chunk = divmod(item, PER_W // CHUNK)
            cps = []
            for c in range(CHUNK // IDX_CHUNK):
                off = st * PER_W + chunk * CHUNK + c * IDX_CHUNK
                cps.append(pltpu.async_copy(
                    tab_hbm.at[idx_v.at[pl.ds(off, IDX_CHUNK)]],
                    buf.at[pl.ds(c * IDX_CHUNK, IDX_CHUNK)],
                    gsem,
                ))
            return cps

        def store(item, buf):
            st, chunk = divmod(item, PER_W // CHUNK)
            return pltpu.async_copy(
                buf, outs[st].at[pl.ds(base + chunk * CHUNK, CHUNK)], ssem)

        gathers = [None] * n_items
        stores = [None] * n_items
        gathers[0] = fire(0, bufs[0], gsems[0])
        for item in range(n_items):
            par = item % 2
            for cp in gathers[item]:
                cp.wait()
            if item + 1 < n_items:
                if item >= 1:
                    stores[item - 1].wait()
                gathers[item + 1] = fire(item + 1, bufs[1 - par],
                                         gsems[1 - par])
            stores[item] = store(item, bufs[par])
        stores[n_items - 1].wait()
        if n_items >= 2:
            stores[n_items - 2].wait()

    return k


def _half(pair_block, sel_col):
    return jnp.where(sel_col == 0.0, pair_block[:, :D], pair_block[:, D:])


def _groupsum(parts):
    k = len(parts)
    x = jnp.concatenate(parts, axis=1)
    g = jax.lax.broadcasted_iota(jnp.int32, (k * D, k), 0) // D == \
        jax.lax.broadcasted_iota(jnp.int32, (k * D, k), 1)
    return jax.lax.dot_general(
        x, g.astype(jnp.float32), (((1,), (0,)), ((), ())),
        preferred_element_type=jnp.float32)


def _tc_loss_body(hp_r, tp_r, chp_r, ctp_r, rel_r, sel_r, out_r):
    sel = sel_r[...]
    hd = _half(hp_r[...], sel[:, 0:1])
    tl = _half(tp_r[...], sel[:, 1:2])
    c_h = _half(chp_r[...], sel[:, 2:3])
    c_t = _half(ctp_r[...], sel[:, 3:4])
    rel = rel_r[...]
    rn = rel[:, :D]
    rh = rel[:, D:]

    d = hd - tl
    dc = c_h - c_t
    s = _groupsum([rn * d, rn * dc])
    pv = d - s[:, 0:1] * rn + rh + 1e-6
    nv = dc - s[:, 1:2] * rn + rh + 1e-6
    q = _groupsum([pv * pv, nv * nv, hd * hd, tl * tl, c_h * c_h, c_t * c_t])
    pos = jnp.sqrt(q[:, 0:1])
    neg = jnp.sqrt(q[:, 1:2])
    total = jnp.sum(jnp.maximum(pos - neg + 1.0, 0.0))
    nrm = jnp.sqrt(q[:, 2:6])
    total += jnp.sum(jnp.maximum(nrm - 1.0, 0.0))
    out_r[0, 0, 0] = total


def _tc_loss(headp, tailp, chp, ctp, rel, sels):
    out = pl.pallas_call(
        _tc_loss_body,
        grid=(NB,),
        in_specs=[pl.BlockSpec((TC_BLK, DP), lambda i: (i, 0))] * 5
        + [pl.BlockSpec((TC_BLK, 4), lambda i: (i, 0))],
        out_specs=pl.BlockSpec((1, 1, 1), lambda i: (i, 0, 0),
                               memory_space=pltpu.SMEM),
        out_shape=jax.ShapeDtypeStruct((NB, 1, 1), jnp.float32),
        compiler_params=pltpu.CompilerParams(
            dimension_semantics=("parallel",)),
    )(headp, tailp, chp, ctp, rel, sels)
    return jnp.sum(out)


def kernel(current_triples, corrupted_triples, entity_embedding,
           relation_norm_embedding, relation_hyper_embedding):
    h = current_triples[:, 0]
    t = current_triples[:, 1]
    r = current_triples[:, 2]
    h_c = corrupted_triples[:, 0]
    t_c = corrupted_triples[:, 1]

    ent2 = _ent_prep(entity_embedding.T)
    rel2 = _rel_prep(relation_norm_embedding.T, relation_hyper_embedding.T)

    def fold(e):
        return ((e >> 10) << 9) + (e & 511)

    gather_ent = _make_sc_gather(4, ENT2_ROWS)
    gather_rel = _make_sc_gather(1, REL2_ROWS)
    headp, tailp, chp, ctp = gather_ent(
        fold(h), fold(t), fold(h_c), fold(t_c), ent2)
    (rel,) = gather_rel(r, rel2)

    sels = jnp.stack(
        [(h >> 9) & 1, (t >> 9) & 1, (h_c >> 9) & 1, (t_c >> 9) & 1],
        axis=1).astype(jnp.float32)
    return _tc_loss(headp, tailp, chp, ctp, rel, sels)

# --- scband reference (transcript-rebuilt; emitter-appended) ---
"""Pipeline reference for scband-h-87024627352366 (READ-ONLY COPY).

The authoritative reference and input builder live on the scoring server;
editing this copy changes nothing except your own understanding.
"""

import jax, jax.numpy as jnp
import numpy as np

ENTITY_NUM = 100000
RELATION_NUM = 100000
DIM = 64
BATCH = 16384
MARGIN = 1.0
C = 1.0


def setup_inputs(seed: int = 0) -> dict:
    key = jax.random.key(seed)
    k1, k2, k3, k4, k5 = jax.random.split(key, 5)
    current_triples = jax.random.randint(k1, (BATCH, 3), 0, ENTITY_NUM, dtype=jnp.int32)
    corrupted_triples = jax.random.randint(k2, (BATCH, 3), 0, ENTITY_NUM, dtype=jnp.int32)
    entity_embedding = jax.random.normal(k3, (ENTITY_NUM, DIM), dtype=jnp.float32)
    relation_norm_embedding = jax.random.normal(k4, (RELATION_NUM, DIM), dtype=jnp.float32)
    relation_hyper_embedding = jax.random.normal(k5, (RELATION_NUM, DIM), dtype=jnp.float32)
    return {
        "current_triples": current_triples,
        "corrupted_triples": corrupted_triples,
        "entity_embedding": entity_embedding,
        "relation_norm_embedding": relation_norm_embedding,
        "relation_hyper_embedding": relation_hyper_embedding,
    }


def _distance(h_e, r_norm, r_hyper, t_e):
    head_p = h_e - jnp.sum(r_norm * h_e, axis=1, keepdims=True) * r_norm
    tail_p = t_e - jnp.sum(r_norm * t_e, axis=1, keepdims=True) * r_norm
    # torch PairwiseDistance(2) with default eps=1e-6: ||x1 - x2 + eps||_2
    return jnp.linalg.norm(head_p + r_hyper - tail_p + 1e-6, axis=1)


def _scalar(entity):
    return jnp.sum(jax.nn.relu(jnp.linalg.norm(entity, axis=1) - 1.0))


def reference(current_triples, corrupted_triples, entity_embedding, relation_norm_embedding, relation_hyper_embedding):
    h = current_triples[:, 0]
    t = current_triples[:, 1]
    r = current_triples[:, 2]
    h_c = corrupted_triples[:, 0]
    t_c = corrupted_triples[:, 1]

    head = jnp.take(entity_embedding, h, axis=0)
    r_norm = jnp.take(relation_norm_embedding, r, axis=0)
    r_hyper = jnp.take(relation_hyper_embedding, r, axis=0)
    tail = jnp.take(entity_embedding, t, axis=0)
    corrupted_head = jnp.take(entity_embedding, h_c, axis=0)
    corrupted_tail = jnp.take(entity_embedding, t_c, axis=0)

    pos = _distance(head, r_norm, r_hyper, tail)
    neg = _distance(corrupted_head, r_norm, r_hyper, corrupted_tail)

    # MarginRankingLoss(margin, reduction='sum') with input1=neg, input2=pos, target=1:
    # sum(relu(-(neg - pos) + margin)) = sum(relu(pos - neg + margin))
    ranking = jnp.sum(jax.nn.relu(pos - neg + MARGIN))
    reg = _scalar(head) + _scalar(tail) + _scalar(corrupted_head) + _scalar(corrupted_tail)
    loss = ranking + C * reg
    return jnp.sum(loss)

if __name__ == "__main__":
    import jax
    _d = setup_inputs()
    print(jax.jit(kernel)(*tuple(_d.values())))

</pallas_src>

<mosaic_0001>
#map = affine_map<(d0, d1) -> (0)>
#map1 = affine_map<(d0, d1) -> (0, 0)>
module attributes {stable_mosaic.version = 14 : i64} {
  func.func @k(%arg0: i32, %arg1: i32, %arg2: memref<16384xi32, #tpu.memory_space<hbm>>, %arg3: memref<16384xi32, #tpu.memory_space<hbm>>, %arg4: memref<16384xi32, #tpu.memory_space<hbm>>, %arg5: memref<16384xi32, #tpu.memory_space<hbm>>, %arg6: memref<50176x128xf32, #tpu.memory_space<hbm>>, %arg7: memref<16384x128xf32, #tpu.memory_space<hbm>>, %arg8: memref<16384x128xf32, #tpu.memory_space<hbm>>, %arg9: memref<16384x128xf32, #tpu.memory_space<hbm>>, %arg10: memref<16384x128xf32, #tpu.memory_space<hbm>>, %arg11: memref<2048xi32, #tpu.memory_space<vmem>>, %arg12: memref<256x128xf32, #tpu.memory_space<vmem>>, %arg13: memref<256x128xf32, #tpu.memory_space<vmem>>, %arg14: memref<!tpu.dma_semaphore, #tpu.memory_space<semaphore_mem>>, %arg15: memref<!tpu.dma_semaphore, #tpu.memory_space<semaphore_mem>>, %arg16: memref<!tpu.dma_semaphore, #tpu.memory_space<semaphore_mem>>) attributes {dimension_semantics = [#tpu.dimension_semantics<core_parallel>, #tpu.dimension_semantics<subcore_parallel>], iteration_bounds = array<i64: 2, 16>, scalar_prefetch = 0 : i64, scratch_operands = 6 : i64, tpu.core_type = #tpu.core_type<sc_vector_subcore>, window_params = [{transform_indices = #map}, {transform_indices = #map}, {transform_indices = #map}, {transform_indices = #map}, {transform_indices = #map1}, {transform_indices = #map1}, {transform_indices = #map1}, {transform_indices = #map1}, {transform_indices = #map1}]} {
    %mul3A = arith.constant 2 : i32
    %mul3A_0 = arith.muli %arg1, %mul3A : i32
    %add3A = arith.addi %mul3A_0, %arg0 : i32
    %mul3A_1 = arith.constant 512 : i32
    %mul3A_2 = arith.muli %add3A, %mul3A_1 : i32
    %dma_start3A = arith.constant 0 : i32
    %dma_start3A_3 = tpu.memref_slice %arg11[%dma_start3A] : memref<2048xi32, #tpu.memory_space<vmem>> -> memref<512xi32, #tpu.memory_space<vmem>>
    %dma_start3A_4 = tpu.memref_slice %arg2[%mul3A_2] : memref<16384xi32, #tpu.memory_space<hbm>> -> memref<512xi32, #tpu.memory_space<hbm>>
    %dma_start3A_5 = arith.constant 0 : i32
    %dma_start3A_6 = tpu.memref_slice %arg11[%dma_start3A_5] : memref<2048xi32, #tpu.memory_space<vmem>> -> memref<512xi32, #tpu.memory_space<vmem>>
    %dma_start3A_7 = tpu.memref_slice %arg2[%mul3A_2] : memref<16384xi32, #tpu.memory_space<hbm>> -> memref<512xi32, #tpu.memory_space<hbm>>
    tpu.enqueue_dma source(%dma_start3A_7 : memref<512xi32, #tpu.memory_space<hbm>>) target(%dma_start3A_6 : memref<512xi32, #tpu.memory_space<vmem>>) target_semaphore(%arg16 : memref<!tpu.dma_semaphore, #tpu.memory_space<semaphore_mem>>)
    %dma_start3A_8 = arith.constant 512 : i32
    %dma_start3A_9 = tpu.memref_slice %arg11[%dma_start3A_8] : memref<2048xi32, #tpu.memory_space<vmem>> -> memref<512xi32, #tpu.memory_space<vmem>>
    %dma_start3A_10 = tpu.memref_slice %arg3[%mul3A_2] : memref<16384xi32, #tpu.memory_space<hbm>> -> memref<512xi32, #tpu.memory_space<hbm>>
    %dma_start3A_11 = arith.constant 512 : i32
    %dma_start3A_12 = tpu.memref_slice %arg11[%dma_start3A_11] : memref<2048xi32, #tpu.memory_space<vmem>> -> memref<512xi32, #tpu.memory_space<vmem>>
    %dma_start3A_13 = tpu.memref_slice %arg3[%mul3A_2] : memref<16384xi32, #tpu.memory_space<hbm>> -> memref<512xi32, #tpu.memory_space<hbm>>
    tpu.enqueue_dma source(%dma_start3A_13 : memref<512xi32, #tpu.memory_space<hbm>>) target(%dma_start3A_12 : memref<512xi32, #tpu.memory_space<vmem>>) target_semaphore(%arg16 : memref<!tpu.dma_semaphore, #tpu.memory_space<semaphore_mem>>)
    %dma_start3A_14 = arith.constant 1024 : i32
    %dma_start3A_15 = tpu.memref_slice %arg11[%dma_start3A_14] : memref<2048xi32, #tpu.memory_space<vmem>> -> memref<512xi32, #tpu.memory_space<vmem>>
    %dma_start3A_16 = tpu.memref_slice %arg4[%mul3A_2] : memref<16384xi32, #tpu.memory_space<hbm>> -> memref<512xi32, #tpu.memory_space<hbm>>
    %dma_start3A_17 = arith.constant 1024 : i32
    %dma_start3A_18 = tpu.memref_slice %arg11[%dma_start3A_17] : memref<2048xi32, #tpu.memory_space<vmem>> -> memref<512xi32, #tpu.memory_space<vmem>>
    %dma_start3A_19 = tpu.memref_slice %arg4[%mul3A_2] : memref<16384xi32, #tpu.memory_space<hbm>> -> memref<512xi32, #tpu.memory_space<hbm>>
    tpu.enqueue_dma source(%dma_start3A_19 : memref<512xi32, #tpu.memory_space<hbm>>) target(%dma_start3A_18 : memref<512xi32, #tpu.memory_space<vmem>>) target_semaphore(%arg16 : memref<!tpu.dma_semaphore, #tpu.memory_space<semaphore_mem>>)
    %dma_start3A_20 = arith.constant 1536 : i32
    %dma_start3A_21 = tpu.memref_slice %arg11[%dma_start3A_20] : memref<2048xi32, #tpu.memory_space<vmem>> -> memref<512xi32, #tpu.memory_space<vmem>>
    %dma_start3A_22 = tpu.memref_slice %arg5[%mul3A_2] : memref<16384xi32, #tpu.memory_space<hbm>> -> memref<512xi32, #tpu.memory_space<hbm>>
    %dma_start3A_23 = arith.constant 1536 : i32
    %dma_start3A_24 = tpu.memref_slice %arg11[%dma_start3A_23] : memref<2048xi32, #tpu.memory_space<vmem>> -> memref<512xi32, #tpu.memory_space<vmem>>
    %dma_start3A_25 = tpu.memref_slice %arg5[%mul3A_2] : memref<16384xi32, #tpu.memory_space<hbm>> -> memref<512xi32, #tpu.memory_space<hbm>>
    tpu.enqueue_dma source(%dma_start3A_25 : memref<512xi32, #tpu.memory_space<hbm>>) target(%dma_start3A_24 : memref<512xi32, #tpu.memory_space<vmem>>) target_semaphore(%arg16 : memref<!tpu.dma_semaphore, #tpu.memory_space<semaphore_mem>>)
    %dma_wait3A = arith.constant 0 : i32
    %dma_wait3A_26 = tpu.memref_slice %arg11[%dma_wait3A] : memref<2048xi32, #tpu.memory_space<vmem>> -> memref<512xi32, #tpu.memory_space<vmem>>
    %dma_wait3A_27 = tpu.memref_slice %arg2[%mul3A_2] : memref<16384xi32, #tpu.memory_space<hbm>> -> memref<512xi32, #tpu.memory_space<hbm>>
    %dma_wait3A_28 = arith.constant 0 : i32
    %dma_wait3A_29 = tpu.memref_slice %arg11[%dma_wait3A_28] : memref<2048xi32, #tpu.memory_space<vmem>> -> memref<512xi32, #tpu.memory_space<vmem>>
    %dma_wait3A_30 = tpu.memref_slice %arg2[%mul3A_2] : memref<16384xi32, #tpu.memory_space<hbm>> -> memref<512xi32, #tpu.memory_space<hbm>>
    tpu.wait_dma2 semaphore(%arg16 : memref<!tpu.dma_semaphore, #tpu.memory_space<semaphore_mem>>) src(%dma_wait3A_30 : memref<512xi32, #tpu.memory_space<hbm>>) dst(%dma_wait3A_29 : memref<512xi32, #tpu.memory_space<vmem>>)
    %dma_wait3A_31 = arith.constant 512 : i32
    %dma_wait3A_32 = tpu.memref_slice %arg11[%dma_wait3A_31] : memref<2048xi32, #tpu.memory_space<vmem>> -> memref<512xi32, #tpu.memory_space<vmem>>
    %dma_wait3A_33 = tpu.memref_slice %arg3[%mul3A_2] : memref<16384xi32, #tpu.memory_space<hbm>> -> memref<512xi32, #tpu.memory_space<hbm>>
    %dma_wait3A_34 = arith.constant 512 : i32
    %dma_wait3A_35 = tpu.memref_slice %arg11[%dma_wait3A_34] : memref<2048xi32, #tpu.memory_space<vmem>> -> memref<512xi32, #tpu.memory_space<vmem>>
    %dma_wait3A_36 = tpu.memref_slice %arg3[%mul3A_2] : memref<16384xi32, #tpu.memory_space<hbm>> -> memref<512xi32, #tpu.memory_space<hbm>>
    tpu.wait_dma2 semaphore(%arg16 : memref<!tpu.dma_semaphore, #tpu.memory_space<semaphore_mem>>) src(%dma_wait3A_36 : memref<512xi32, #tpu.memory_space<hbm>>) dst(%dma_wait3A_35 : memref<512xi32, #tpu.memory_space<vmem>>)
    %dma_wait3A_37 = arith.constant 1024 : i32
    %dma_wait3A_38 = tpu.memref_slice %arg11[%dma_wait3A_37] : memref<2048xi32, #tpu.memory_space<vmem>> -> memref<512xi32, #tpu.memory_space<vmem>>
    %dma_wait3A_39 = tpu.memref_slice %arg4[%mul3A_2] : memref<16384xi32, #tpu.memory_space<hbm>> -> memref<512xi32, #tpu.memory_space<hbm>>
    %dma_wait3A_40 = arith.constant 1024 : i32
    %dma_wait3A_41 = tpu.memref_slice %arg11[%dma_wait3A_40] : memref<2048xi32, #tpu.memory_space<vmem>> -> memref<512xi32, #tpu.memory_space<vmem>>
    %dma_wait3A_42 = tpu.memref_slice %arg4[%mul3A_2] : memref<16384xi32, #tpu.memory_space<hbm>> -> memref<512xi32, #tpu.memory_space<hbm>>
    tpu.wait_dma2 semaphore(%arg16 : memref<!tpu.dma_semaphore, #tpu.memory_space<semaphore_mem>>) src(%dma_wait3A_42 : memref<512xi32, #tpu.memory_space<hbm>>) dst(%dma_wait3A_41 : memref<512xi32, #tpu.memory_space<vmem>>)
    %dma_wait3A_43 = arith.constant 1536 : i32
    %dma_wait3A_44 = tpu.memref_slice %arg11[%dma_wait3A_43] : memref<2048xi32, #tpu.memory_space<vmem>> -> memref<512xi32, #tpu.memory_space<vmem>>
    %dma_wait3A_45 = tpu.memref_slice %arg5[%mul3A_2] : memref<16384xi32, #tpu.memory_space<hbm>> -> memref<512xi32, #tpu.memory_space<hbm>>
    %dma_wait3A_46 = arith.constant 1536 : i32
    %dma_wait3A_47 = tpu.memref_slice %arg11[%dma_wait3A_46] : memref<2048xi32, #tpu.memory_space<vmem>> -> memref<512xi32, #tpu.memory_space<vmem>>
    %dma_wait3A_48 = tpu.memref_slice %arg5[%mul3A_2] : memref<16384xi32, #tpu.memory_space<hbm>> -> memref<512xi32, #tpu.memory_space<hbm>>
    tpu.wait_dma2 semaphore(%arg16 : memref<!tpu.dma_semaphore, #tpu.memory_space<semaphore_mem>>) src(%dma_wait3A_48 : memref<512xi32, #tpu.memory_space<hbm>>) dst(%dma_wait3A_47 : memref<512xi32, #tpu.memory_space<vmem>>)
    %dma_start3A_49 = arith.constant 0 : i32
    %dma_start3A_50 = arith.constant 0 : i32
    %dma_start3A_51 = tpu.memref_slice %arg12[%dma_start3A_49, %dma_start3A_50] : memref<256x128xf32, #tpu.memory_space<vmem>> -> memref<128x128xf32, #tpu.memory_space<vmem>>
    %dma_start3A_52 = arith.constant 0 : i32
    %dma_start3A_53 = tpu.memref_slice %arg11[%dma_start3A_52] : memref<2048xi32, #tpu.memory_space<vmem>> -> memref<128xi32, #tpu.memory_space<vmem>>
    %dma_start3A_54 = arith.constant 0 : i32
    %dma_start3A_55 = arith.constant 0 : i32
    %dma_start3A_56 = tpu.memref_slice %arg6[%dma_start3A_54, %dma_start3A_55] : memref<50176x128xf32, #tpu.memory_space<hbm>> -> memref<50176x128xf32, #tpu.memory_space<hbm>>
    tpu.enqueue_indirect_dma source(%dma_start3A_56 : memref<50176x128xf32, #tpu.memory_space<hbm>>) target(%dma_start3A_51 : memref<128x128xf32, #tpu.memory_space<vmem>>) offsets(%dma_start3A_53 : memref<128xi32, #tpu.memory_space<vmem>>) semaphore(%arg14 : memref<!tpu.dma_semaphore, #tpu.memory_space<semaphore_mem>>)
    %dma_start3A_57 = arith.constant 128 : i32
    %dma_start3A_58 = arith.constant 0 : i32
    %dma_start3A_59 = tpu.memref_slice %arg12[%dma_start3A_57, %dma_start3A_58] : memref<256x128xf32, #tpu.memory_space<vmem>> -> memref<128x128xf32, #tpu.memory_space<vmem>>
    %dma_start3A_60 = arith.constant 128 : i32
    %dma_start3A_61 = tpu.memref_slice %arg11[%dma_start3A_60] : memref<2048xi32, #tpu.memory_space<vmem>> -> memref<128xi32, #tpu.memory_space<vmem>>
    %dma_start3A_62 = arith.constant 0 : i32
    %dma_start3A_63 = arith.constant 0 : i32
    %dma_start3A_64 = tpu.memref_slice %arg6[%dma_start3A_62, %dma_start3A_63] : memref<50176x128xf32, #tpu.memory_space<hbm>> -> memref<50176x128xf32, #tpu.memory_space<hbm>>
    tpu.enqueue_indirect_dma source(%dma_start3A_64 : memref<50176x128xf32, #tpu.memory_space<hbm>>) target(%dma_start3A_59 : memref<128x128xf32, #tpu.memory_space<vmem>>) offsets(%dma_start3A_61 : memref<128xi32, #tpu.memory_space<vmem>>) semaphore(%arg14 : memref<!tpu.dma_semaphore, #tpu.memory_space<semaphore_mem>>)
    %dma_wait3A_65 = arith.constant 0 : i32
    %dma_wait3A_66 = arith.constant 0 : i32
    %dma_wait3A_67 = tpu.memref_slice %arg12[%dma_wait3A_65, %dma_wait3A_66] : memref<256x128xf32, #tpu.memory_space<vmem>> -> memref<128x128xf32, #tpu.memory_space<vmem>>
    %dma_wait3A_68 = arith.constant 0 : i32
    %dma_wait3A_69 = tpu.memref_slice %arg11[%dma_wait3A_68] : memref<2048xi32, #tpu.memory_space<vmem>> -> memref<128xi32, #tpu.memory_space<vmem>>
    %dma_wait3A_70 = arith.constant 0 : i32
    %dma_wait3A_71 = arith.constant 0 : i32
    %dma_wait3A_72 = tpu.memref_slice %arg6[%dma_wait3A_70, %dma_wait3A_71] : memref<50176x128xf32, #tpu.memory_space<hbm>> -> memref<50176x128xf32, #tpu.memory_space<hbm>>
    tpu.wait_indirect_dma semaphore(%arg14 : memref<!tpu.dma_semaphore, #tpu.memory_space<semaphore_mem>>) src(%dma_wait3A_72 : memref<50176x128xf32, #tpu.memory_space<hbm>>) dst(%dma_wait3A_67 : memref<128x128xf32, #tpu.memory_space<vmem>>)
    %dma_wait3A_73 = arith.constant 128 : i32
    %dma_wait3A_74 = arith.constant 0 : i32
    %dma_wait3A_75 = tpu.memref_slice %arg12[%dma_wait3A_73, %dma_wait3A_74] : memref<256x128xf32, #tpu.memory_space<vmem>> -> memref<128x128xf32, #tpu.memory_space<vmem>>
    %dma_wait3A_76 = arith.constant 128 : i32
    %dma_wait3A_77 = tpu.memref_slice %arg11[%dma_wait3A_76] : memref<2048xi32, #tpu.memory_space<vmem>> -> memref<128xi32, #tpu.memory_space<vmem>>
    %dma_wait3A_78 = arith.constant 0 : i32
    %dma_wait3A_79 = arith.constant 0 : i32
    %dma_wait3A_80 = tpu.memref_slice %arg6[%dma_wait3A_78, %dma_wait3A_79] : memref<50176x128xf32, #tpu.memory_space<hbm>> -> memref<50176x128xf32, #tpu.memory_space<hbm>>
    tpu.wait_indirect_dma semaphore(%arg14 : memref<!tpu.dma_semaphore, #tpu.memory_space<semaphore_mem>>) src(%dma_wait3A_80 : memref<50176x128xf32, #tpu.memory_space<hbm>>) dst(%dma_wait3A_75 : memref<128x128xf32, #tpu.memory_space<vmem>>)
    %dma_start3A_81 = arith.constant 0 : i32
    %dma_start3A_82 = arith.constant 0 : i32
    %dma_start3A_83 = tpu.memref_slice %arg13[%dma_start3A_81, %dma_start3A_82] : memref<256x128xf32, #tpu.memory_space<vmem>> -> memref<128x128xf32, #tpu.memory_space<vmem>>
    %dma_start3A_84 = arith.constant 256 : i32
    %dma_start3A_85 = tpu.memref_slice %arg11[%dma_start3A_84] : memref<2048xi32, #tpu.memory_space<vmem>> -> memref<128xi32, #tpu.memory_space<vmem>>
    %dma_start3A_86 = arith.constant 0 : i32
    %dma_start3A_87 = arith.constant 0 : i32
    %dma_start3A_88 = tpu.memref_slice %arg6[%dma_start3A_86, %dma_start3A_87] : memref<50176x128xf32, #tpu.memory_space<hbm>> -> memref<50176x128xf32, #tpu.memory_space<hbm>>
    tpu.enqueue_indirect_dma source(%dma_start3A_88 : memref<50176x128xf32, #tpu.memory_space<hbm>>) target(%dma_start3A_83 : memref<128x128xf32, #tpu.memory_space<vmem>>) offsets(%dma_start3A_85 : memref<128xi32, #tpu.memory_space<vmem>>) semaphore(%arg15 : memref<!tpu.dma_semaphore, #tpu.memory_space<semaphore_mem>>)
    %dma_start3A_89 = arith.constant 128 : i32
    %dma_start3A_90 = arith.constant 0 : i32
    %dma_start3A_91 = tpu.memref_slice %arg13[%dma_start3A_89, %dma_start3A_90] : memref<256x128xf32, #tpu.memory_space<vmem>> -> memref<128x128xf32, #tpu.memory_space<vmem>>
    %dma_start3A_92 = arith.constant 384 : i32
    %dma_start3A_93 = tpu.memref_slice %arg11[%dma_start3A_92] : memref<2048xi32, #tpu.memory_space<vmem>> -> memref<128xi32, #tpu.memory_space<vmem>>
    %dma_start3A_94 = arith.constant 0 : i32
    %dma_start3A_95 = arith.constant 0 : i32
    %dma_start3A_96 = tpu.memref_slice %arg6[%dma_start3A_94, %dma_start3A_95] : memref<50176x128xf32, #tpu.memory_space<hbm>> -> memref<50176x128xf32, #tpu.memory_space<hbm>>
    tpu.enqueue_indirect_dma source(%dma_start3A_96 : memref<50176x128xf32, #tpu.memory_space<hbm>>) target(%dma_start3A_91 : memref<128x128xf32, #tpu.memory_space<vmem>>) offsets(%dma_start3A_93 : memref<128xi32, #tpu.memory_space<vmem>>) semaphore(%arg15 : memref<!tpu.dma_semaphore, #tpu.memory_space<semaphore_mem>>)
    %add3A_97 = arith.constant 0 : i32
    %add3A_98 = arith.addi %mul3A_2, %add3A_97 : i32
    %dma_start3A_99 = arith.constant 0 : i32
    %dma_start3A_100 = tpu.memref_slice %arg7[%add3A_98, %dma_start3A_99] : memref<16384x128xf32, #tpu.memory_space<hbm>> -> memref<256x128xf32, #tpu.memory_space<hbm>>
    %dma_start3A_101 = arith.constant 0 : i32
    %dma_start3A_102 = tpu.memref_slice %arg7[%add3A_98, %dma_start3A_101] : memref<16384x128xf32, #tpu.memory_space<hbm>> -> memref<256x128xf32, #tpu.memory_space<hbm>>
    tpu.enqueue_dma source(%arg12 : memref<256x128xf32, #tpu.memory_space<vmem>>) target(%dma_start3A_102 : memref<256x128xf32, #tpu.memory_space<hbm>>) target_semaphore(%arg16 : memref<!tpu.dma_semaphore, #tpu.memory_space<semaphore_mem>>)
    %dma_wait3A_103 = arith.constant 0 : i32
    %dma_wait3A_104 = arith.constant 0 : i32
    %dma_wait3A_105 = tpu.memref_slice %arg13[%dma_wait3A_103, %dma_wait3A_104] : memref<256x128xf32, #tpu.memory_space<vmem>> -> memref<128x128xf32, #tpu.memory_space<vmem>>
    %dma_wait3A_106 = arith.constant 256 : i32
    %dma_wait3A_107 = tpu.memref_slice %arg11[%dma_wait3A_106] : memref<2048xi32, #tpu.memory_space<vmem>> -> memref<128xi32, #tpu.memory_space<vmem>>
    %dma_wait3A_108 = arith.constant 0 : i32
    %dma_wait3A_109 = arith.constant 0 : i32
    %dma_wait3A_110 = tpu.memref_slice %arg6[%dma_wait3A_108, %dma_wait3A_109] : memref<50176x128xf32, #tpu.memory_space<hbm>> -> memref<50176x128xf32, #tpu.memory_space<hbm>>
    tpu.wait_indirect_dma semaphore(%arg15 : memref<!tpu.dma_semaphore, #tpu.memory_space<semaphore_mem>>) src(%dma_wait3A_110 : memref<50176x128xf32, #tpu.memory_space<hbm>>) dst(%dma_wait3A_105 : memref<128x128xf32, #tpu.memory_space<vmem>>)
    %dma_wait3A_111 = arith.constant 128 : i32
    %dma_wait3A_112 = arith.constant 0 : i32
    %dma_wait3A_113 = tpu.memref_slice %arg13[%dma_wait3A_111, %dma_wait3A_112] : memref<256x128xf32, #tpu.memory_space<vmem>> -> memref<128x128xf32, #tpu.memory_space<vmem>>
    %dma_wait3A_114 = arith.constant 384 : i32
    %dma_wait3A_115 = tpu.memref_slice %arg11[%dma_wait3A_114] : memref<2048xi32, #tpu.memory_space<vmem>> -> memref<128xi32, #tpu.memory_space<vmem>>
    %dma_wait3A_116 = arith.constant 0 : i32
    %dma_wait3A_117 = arith.constant 0 : i32
    %dma_wait3A_118 = tpu.memref_slice %arg6[%dma_wait3A_116, %dma_wait3A_117] : memref<50176x128xf32, #tpu.memory_space<hbm>> -> memref<50176x128xf32, #tpu.memory_space<hbm>>
    tpu.wait_indirect_dma semaphore(%arg15 : memref<!tpu.dma_semaphore, #tpu.memory_space<semaphore_mem>>) src(%dma_wait3A_118 : memref<50176x128xf32, #tpu.memory_space<hbm>>) dst(%dma_wait3A_113 : memref<128x128xf32, #tpu.memory_space<vmem>>)
    %dma_wait3A_119 = arith.constant 0 : i32
    %dma_wait3A_120 = tpu.memref_slice %arg7[%add3A_98, %dma_wait3A_119] : memref<16384x128xf32, #tpu.memory_space<hbm>> -> memref<256x128xf32, #tpu.memory_space<hbm>>
    %dma_wait3A_121 = arith.constant 0 : i32
    %dma_wait3A_122 = tpu.memref_slice %arg7[%add3A_98, %dma_wait3A_121] : memref<16384x128xf32, #tpu.memory_space<hbm>> -> memref<256x128xf32, #tpu.memory_space<hbm>>
    tpu.wait_dma2 semaphore(%arg16 : memref<!tpu.dma_semaphore, #tpu.memory_space<semaphore_mem>>) src(%arg12 : memref<256x128xf32, #tpu.memory_space<vmem>>) dst(%dma_wait3A_122 : memref<256x128xf32, #tpu.memory_space<hbm>>)
    %dma_start3A_123 = arith.constant 0 : i32
    %dma_start3A_124 = arith.constant 0 : i32
    %dma_start3A_125 = tpu.memref_slice %arg12[%dma_start3A_123, %dma_start3A_124] : memref<256x128xf32, #tpu.memory_space<vmem>> -> memref<128x128xf32, #tpu.memory_space<vmem>>
    %dma_start3A_126 = arith.constant 512 : i32
    %dma_start3A_127 = tpu.memref_slice %arg11[%dma_start3A_126] : memref<2048xi32, #tpu.memory_space<vmem>> -> memref<128xi32, #tpu.memory_space<vmem>>
    %dma_start3A_128 = arith.constant 0 : i32
    %dma_start3A_129 = arith.constant 0 : i32
    %dma_start3A_130 = tpu.memref_slice %arg6[%dma_start3A_128, %dma_start3A_129] : memref<50176x128xf32, #tpu.memory_space<hbm>> -> memref<50176x128xf32, #tpu.memory_space<hbm>>
    tpu.enqueue_indirect_dma source(%dma_start3A_130 : memref<50176x128xf32, #tpu.memory_space<hbm>>) target(%dma_start3A_125 : memref<128x128xf32, #tpu.memory_space<vmem>>) offsets(%dma_start3A_127 : memref<128xi32, #tpu.memory_space<vmem>>) semaphore(%arg14 : memref<!tpu.dma_semaphore, #tpu.memory_space<semaphore_mem>>)
    %dma_start3A_131 = arith.constant 128 : i32
    %dma_start3A_132 = arith.constant 0 : i32
    %dma_start3A_133 = tpu.memref_slice %arg12[%dma_start3A_131, %dma_start3A_132] : memref<256x128xf32, #tpu.memory_space<vmem>> -> memref<128x128xf32, #tpu.memory_space<vmem>>
    %dma_start3A_134 = arith.constant 640 : i32
    %dma_start3A_135 = tpu.memref_slice %arg11[%dma_start3A_134] : memref<2048xi32, #tpu.memory_space<vmem>> -> memref<128xi32, #tpu.memory_space<vmem>>
    %dma_start3A_136 = arith.constant 0 : i32
    %dma_start3A_137 = arith.constant 0 : i32
    %dma_start3A_138 = tpu.memref_slice %arg6[%dma_start3A_136, %dma_start3A_137] : memref<50176x128xf32, #tpu.memory_space<hbm>> -> memref<50176x128xf32, #tpu.memory_space<hbm>>
    tpu.enqueue_indirect_dma source(%dma_start3A_138 : memref<50176x128xf32, #tpu.memory_space<hbm>>) target(%dma_start3A_133 : memref<128x128xf32, #tpu.memory_space<vmem>>) offsets(%dma_start3A_135 : memref<128xi32, #tpu.memory_space<vmem>>) semaphore(%arg14 : memref<!tpu.dma_semaphore, #tpu.memory_space<semaphore_mem>>)
    %add3A_139 = arith.constant 256 : i32
    %add3A_140 = arith.addi %mul3A_2, %add3A_139 : i32
    %dma_start3A_141 = arith.constant 0 : i32
    %dma_start3A_142 = tpu.memref_slice %arg7[%add3A_140, %dma_start3A_141] : memref<16384x128xf32, #tpu.memory_space<hbm>> -> memref<256x128xf32, #tpu.memory_space<hbm>>
    %dma_start3A_143 = arith.constant 0 : i32
    %dma_start3A_144 = tpu.memref_slice %arg7[%add3A_140, %dma_start3A_143] : memref<16384x128xf32, #tpu.memory_space<hbm>> -> memref<256x128xf32, #tpu.memory_space<hbm>>
    tpu.enqueue_dma source(%arg13 : memref<256x128xf32, #tpu.memory_space<vmem>>) target(%dma_start3A_144 : memref<256x128xf32, #tpu.memory_space<hbm>>) target_semaphore(%arg16 : memref<!tpu.dma_semaphore, #tpu.memory_space<semaphore_mem>>)
    %dma_wait3A_145 = arith.constant 0 : i32
    %dma_wait3A_146 = arith.constant 0 : i32
    %dma_wait3A_147 = tpu.memref_slice %arg12[%dma_wait3A_145, %dma_wait3A_146] : memref<256x128xf32, #tpu.memory_space<vmem>> -> memref<128x128xf32, #tpu.memory_space<vmem>>
    %dma_wait3A_148 = arith.constant 512 : i32
    %dma_wait3A_149 = tpu.memref_slice %arg11[%dma_wait3A_148] : memref<2048xi32, #tpu.memory_space<vmem>> -> memref<128xi32, #tpu.memory_space<vmem>>
    %dma_wait3A_150 = arith.constant 0 : i32
    %dma_wait3A_151 = arith.constant 0 : i32
    %dma_wait3A_152 = tpu.memref_slice %arg6[%dma_wait3A_150, %dma_wait3A_151] : memref<50176x128xf32, #tpu.memory_space<hbm>> -> memref<50176x128xf32, #tpu.memory_space<hbm>>
    tpu.wait_indirect_dma semaphore(%arg14 : memref<!tpu.dma_semaphore, #tpu.memory_space<semaphore_mem>>) src(%dma_wait3A_152 : memref<50176x128xf32, #tpu.memory_space<hbm>>) dst(%dma_wait3A_147 : memref<128x128xf32, #tpu.memory_space<vmem>>)
    %dma_wait3A_153 = arith.constant 128 : i32
    %dma_wait3A_154 = arith.constant 0 : i32
    %dma_wait3A_155 = tpu.memref_slice %arg12[%dma_wait3A_153, %dma_wait3A_154] : memref<256x128xf32, #tpu.memory_space<vmem>> -> memref<128x128xf32, #tpu.memory_space<vmem>>
    %dma_wait3A_156 = arith.constant 640 : i32
    %dma_wait3A_157 = tpu.memref_slice %arg11[%dma_wait3A_156] : memref<2048xi32, #tpu.memory_space<vmem>> -> memref<128xi32, #tpu.memory_space<vmem>>
    %dma_wait3A_158 = arith.constant 0 : i32
    %dma_wait3A_159 = arith.constant 0 : i32
    %dma_wait3A_160 = tpu.memref_slice %arg6[%dma_wait3A_158, %dma_wait3A_159] : memref<50176x128xf32, #tpu.memory_space<hbm>> -> memref<50176x128xf32, #tpu.memory_space<hbm>>
    tpu.wait_indirect_dma semaphore(%arg14 : memref<!tpu.dma_semaphore, #tpu.memory_space<semaphore_mem>>) src(%dma_wait3A_160 : memref<50176x128xf32, #tpu.memory_space<hbm>>) dst(%dma_wait3A_155 : memref<128x128xf32, #tpu.memory_space<vmem>>)
    %dma_wait3A_161 = arith.constant 0 : i32
    %dma_wait3A_162 = tpu.memref_slice %arg7[%add3A_140, %dma_wait3A_161] : memref<16384x128xf32, #tpu.memory_space<hbm>> -> memref<256x128xf32, #tpu.memory_space<hbm>>
    %dma_wait3A_163 = arith.constant 0 : i32
    %dma_wait3A_164 = tpu.memref_slice %arg7[%add3A_140, %dma_wait3A_163] : memref<16384x128xf32, #tpu.memory_space<hbm>> -> memref<256x128xf32, #tpu.memory_space<hbm>>
    tpu.wait_dma2 semaphore(%arg16 : memref<!tpu.dma_semaphore, #tpu.memory_space<semaphore_mem>>) src(%arg13 : memref<256x128xf32, #tpu.memory_space<vmem>>) dst(%dma_wait3A_164 : memref<256x128xf32, #tpu.memory_space<hbm>>)
    %dma_start3A_165 = arith.constant 0 : i32
    %dma_start3A_166 = arith.constant 0 : i32
    %dma_start3A_167 = tpu.memref_slice %arg13[%dma_start3A_165, %dma_start3A_166] : memref<256x128xf32, #tpu.memory_space<vmem>> -> memref<128x128xf32, #tpu.memory_space<vmem>>
    %dma_start3A_168 = arith.constant 768 : i32
    %dma_start3A_169 = tpu.memref_slice %arg11[%dma_start3A_168] : memref<2048xi32, #tpu.memory_space<vmem>> -> memref<128xi32, #tpu.memory_space<vmem>>
    %dma_start3A_170 = arith.constant 0 : i32
    %dma_start3A_171 = arith.constant 0 : i32
    %dma_start3A_172 = tpu.memref_slice %arg6[%dma_start3A_170, %dma_start3A_171] : memref<50176x128xf32, #tpu.memory_space<hbm>> -> memref<50176x128xf32, #tpu.memory_space<hbm>>
    tpu.enqueue_indirect_dma source(%dma_start3A_172 : memref<50176x128xf32, #tpu.memory_space<hbm>>) target(%dma_start3A_167 : memref<128x128xf32, #tpu.memory_space<vmem>>) offsets(%dma_start3A_169 : memref<128xi32, #tpu.memory_space<vmem>>) semaphore(%arg15 : memref<!tpu.dma_semaphore, #tpu.memory_space<semaphore_mem>>)
    %dma_start3A_173 = arith.constant 128 : i32
    %dma_start3A_174 = arith.constant 0 : i32
    %dma_start3A_175 = tpu.memref_slice %arg13[%dma_start3A_173, %dma_start3A_174] : memref<256x128xf32, #tpu.memory_space<vmem>> -> memref<128x128xf32, #tpu.memory_space<vmem>>
    %dma_start3A_176 = arith.constant 896 : i32
    %dma_start3A_177 = tpu.memref_slice %arg11[%dma_start3A_176] : memref<2048xi32, #tpu.memory_space<vmem>> -> memref<128xi32, #tpu.memory_space<vmem>>
    %dma_start3A_178 = arith.constant 0 : i32
    %dma_start3A_179 = arith.constant 0 : i32
    %dma_start3A_180 = tpu.memref_slice %arg6[%dma_start3A_178, %dma_start3A_179] : memref<50176x128xf32, #tpu.memory_space<hbm>> -> memref<50176x128xf32, #tpu.memory_space<hbm>>
    tpu.enqueue_indirect_dma source(%dma_start3A_180 : memref<50176x128xf32, #tpu.memory_space<hbm>>) target(%dma_start3A_175 : memref<128x128xf32, #tpu.memory_space<vmem>>) offsets(%dma_start3A_177 : memref<128xi32, #tpu.memory_space<vmem>>) semaphore(%arg15 : memref<!tpu.dma_semaphore, #tpu.memory_space<semaphore_mem>>)
    %add3A_181 = arith.constant 0 : i32
    %add3A_182 = arith.addi %mul3A_2, %add3A_181 : i32
    %dma_start3A_183 = arith.constant 0 : i32
    %dma_start3A_184 = tpu.memref_slice %arg8[%add3A_182, %dma_start3A_183] : memref<16384x128xf32, #tpu.memory_space<hbm>> -> memref<256x128xf32, #tpu.memory_space<hbm>>
    %dma_start3A_185 = arith.constant 0 : i32
    %dma_start3A_186 = tpu.memref_slice %arg8[%add3A_182, %dma_start3A_185] : memref<16384x128xf32, #tpu.memory_space<hbm>> -> memref<256x128xf32, #tpu.memory_space<hbm>>
    tpu.enqueue_dma source(%arg12 : memref<256x128xf32, #tpu.memory_space<vmem>>) target(%dma_start3A_186 : memref<256x128xf32, #tpu.memory_space<hbm>>) target_semaphore(%arg16 : memref<!tpu.dma_semaphore, #tpu.memory_space<semaphore_mem>>)
    %dma_wait3A_187 = arith.constant 0 : i32
    %dma_wait3A_188 = arith.constant 0 : i32
    %dma_wait3A_189 = tpu.memref_slice %arg13[%dma_wait3A_187, %dma_wait3A_188] : memref<256x128xf32, #tpu.memory_space<vmem>> -> memref<128x128xf32, #tpu.memory_space<vmem>>
    %dma_wait3A_190 = arith.constant 768 : i32
    %dma_wait3A_191 = tpu.memref_slice %arg11[%dma_wait3A_190] : memref<2048xi32, #tpu.memory_space<vmem>> -> memref<128xi32, #tpu.memory_space<vmem>>
    %dma_wait3A_192 = arith.constant 0 : i32
    %dma_wait3A_193 = arith.constant 0 : i32
    %dma_wait3A_194 = tpu.memref_slice %arg6[%dma_wait3A_192, %dma_wait3A_193] : memref<50176x128xf32, #tpu.memory_space<hbm>> -> memref<50176x128xf32, #tpu.memory_space<hbm>>
    tpu.wait_indirect_dma semaphore(%arg15 : memref<!tpu.dma_semaphore, #tpu.memory_space<semaphore_mem>>) src(%dma_wait3A_194 : memref<50176x128xf32, #tpu.memory_space<hbm>>) dst(%dma_wait3A_189 : memref<128x128xf32, #tpu.memory_space<vmem>>)
    %dma_wait3A_195 = arith.constant 128 : i32
    %dma_wait3A_196 = arith.constant 0 : i32
    %dma_wait3A_197 = tpu.memref_slice %arg13[%dma_wait3A_195, %dma_wait3A_196] : memref<256x128xf32, #tpu.memory_space<vmem>> -> memref<128x128xf32, #tpu.memory_space<vmem>>
    %dma_wait3A_198 = arith.constant 896 : i32
    %dma_wait3A_199 = tpu.memref_slice %arg11[%dma_wait3A_198] : memref<2048xi32, #tpu.memory_space<vmem>> -> memref<128xi32, #tpu.memory_space<vmem>>
    %dma_wait3A_200 = arith.constant 0 : i32
    %dma_wait3A_201 = arith.constant 0 : i32
    %dma_wait3A_202 = tpu.memref_slice %arg6[%dma_wait3A_200, %dma_wait3A_201] : memref<50176x128xf32, #tpu.memory_space<hbm>> -> memref<50176x128xf32, #tpu.memory_space<hbm>>
    tpu.wait_indirect_dma semaphore(%arg15 : memref<!tpu.dma_semaphore, #tpu.memory_space<semaphore_mem>>) src(%dma_wait3A_202 : memref<50176x128xf32, #tpu.memory_space<hbm>>) dst(%dma_wait3A_197 : memref<128x128xf32, #tpu.memory_space<vmem>>)
    %dma_wait3A_203 = arith.constant 0 : i32
    %dma_wait3A_204 = tpu.memref_slice %arg8[%add3A_182, %dma_wait3A_203] : memref<16384x128xf32, #tpu.memory_space<hbm>> -> memref<256x128xf32, #tpu.memory_space<hbm>>
    %dma_wait3A_205 = arith.constant 0 : i32
    %dma_wait3A_206 = tpu.memref_slice %arg8[%add3A_182, %dma_wait3A_205] : memref<16384x128xf32, #tpu.memory_space<hbm>> -> memref<256x128xf32, #tpu.memory_space<hbm>>
    tpu.wait_dma2 semaphore(%arg16 : memref<!tpu.dma_semaphore, #tpu.memory_space<semaphore_mem>>) src(%arg12 : memref<256x128xf32, #tpu.memory_space<vmem>>) dst(%dma_wait3A_206 : memref<256x128xf32, #tpu.memory_space<hbm>>)
    %dma_start3A_207 = arith.constant 0 : i32
    %dma_start3A_208 = arith.constant 0 : i32
    %dma_start3A_209 = tpu.memref_slice %arg12[%dma_start3A_207, %dma_start3A_208] : memref<256x128xf32, #tpu.memory_space<vmem>> -> memref<128x128xf32, #tpu.memory_space<vmem>>
    %dma_start3A_210 = arith.constant 1024 : i32
    %dma_start3A_211 = tpu.memref_slice %arg11[%dma_start3A_210] : memref<2048xi32, #tpu.memory_space<vmem>> -> memref<128xi32, #tpu.memory_space<vmem>>
    %dma_start3A_212 = arith.constant 0 : i32
    %dma_start3A_213 = arith.constant 0 : i32
    %dma_start3A_214 = tpu.memref_slice %arg6[%dma_start3A_212, %dma_start3A_213] : memref<50176x128xf32, #tpu.memory_space<hbm>> -> memref<50176x128xf32, #tpu.memory_space<hbm>>
    tpu.enqueue_indirect_dma source(%dma_start3A_214 : memref<50176x128xf32, #tpu.memory_space<hbm>>) target(%dma_start3A_209 : memref<128x128xf32, #tpu.memory_space<vmem>>) offsets(%dma_start3A_211 : memref<128xi32, #tpu.memory_space<vmem>>) semaphore(%arg14 : memref<!tpu.dma_semaphore, #tpu.memory_space<semaphore_mem>>)
    %dma_start3A_215 = arith.constant 128 : i32
    %dma_start3A_216 = arith.constant 0 : i32
    %dma_start3A_217 = tpu.memref_slice %arg12[%dma_start3A_215, %dma_start3A_216] : memref<256x128xf32, #tpu.memory_space<vmem>> -> memref<128x128xf32, #tpu.memory_space<vmem>>
    %dma_start3A_218 = arith.constant 1152 : i32
    %dma_start3A_219 = tpu.memref_slice %arg11[%dma_start3A_218] : memref<2048xi32, #tpu.memory_space<vmem>> -> memref<128xi32, #tpu.memory_space<vmem>>
    %dma_start3A_220 = arith.constant 0 : i32
    %dma_start3A_221 = arith.constant 0 : i32
    %dma_start3A_222 = tpu.memref_slice %arg6[%dma_start3A_220, %dma_start3A_221] : memref<50176x128xf32, #tpu.memory_space<hbm>> -> memref<50176x128xf32, #tpu.memory_space<hbm>>
    tpu.enqueue_indirect_dma source(%dma_start3A_222 : memref<50176x128xf32, #tpu.memory_space<hbm>>) target(%dma_start3A_217 : memref<128x128xf32, #tpu.memory_space<vmem>>) offsets(%dma_start3A_219 : memref<128xi32, #tpu.memory_space<vmem>>) semaphore(%arg14 : memref<!tpu.dma_semaphore, #tpu.memory_space<semaphore_mem>>)
    %add3A_223 = arith.constant 256 : i32
    %add3A_224 = arith.addi %mul3A_2, %add3A_223 : i32
    %dma_start3A_225 = arith.constant 0 : i32
    %dma_start3A_226 = tpu.memref_slice %arg8[%add3A_224, %dma_start3A_225] : memref<16384x128xf32, #tpu.memory_space<hbm>> -> memref<256x128xf32, #tpu.memory_space<hbm>>
    %dma_start3A_227 = arith.constant 0 : i32
    %dma_start3A_228 = tpu.memref_slice %arg8[%add3A_224, %dma_start3A_227] : memref<16384x128xf32, #tpu.memory_space<hbm>> -> memref<256x128xf32, #tpu.memory_space<hbm>>
    tpu.enqueue_dma source(%arg13 : memref<256x128xf32, #tpu.memory_space<vmem>>) target(%dma_start3A_228 : memref<256x128xf32, #tpu.memory_space<hbm>>) target_semaphore(%arg16 : memref<!tpu.dma_semaphore, #tpu.memory_space<semaphore_mem>>)
    %dma_wait3A_229 = arith.constant 0 : i32
    %dma_wait3A_230 = arith.constant 0 : i32
    %dma_wait3A_231 = tpu.memref_slice %arg12[%dma_wait3A_229, %dma_wait3A_230] : memref<256x128xf32, #tpu.memory_space<vmem>> -> memref<128x128xf32, #tpu.memory_space<vmem>>
    %dma_wait3A_232 = arith.constant 1024 : i32
    %dma_wait3A_233 = tpu.memref_slice %arg11[%dma_wait3A_232] : memref<2048xi32, #tpu.memory_space<vmem>> -> memref<128xi32, #tpu.memory_space<vmem>>
    %dma_wait3A_234 = arith.constant 0 : i32
    %dma_wait3A_235 = arith.constant 0 : i32
    %dma_wait3A_236 = tpu.memref_slice %arg6[%dma_wait3A_234, %dma_wait3A_235] : memref<50176x128xf32, #tpu.memory_space<hbm>> -> memref<50176x128xf32, #tpu.memory_space<hbm>>
    tpu.wait_indirect_dma semaphore(%arg14 : memref<!tpu.dma_semaphore, #tpu.memory_space<semaphore_mem>>) src(%dma_wait3A_236 : memref<50176x128xf32, #tpu.memory_space<hbm>>) dst(%dma_wait3A_231 : memref<128x128xf32, #tpu.memory_space<vmem>>)
    %dma_wait3A_237 = arith.constant 128 : i32
    %dma_wait3A_238 = arith.constant 0 : i32
    %dma_wait3A_239 = tpu.memref_slice %arg12[%dma_wait3A_237, %dma_wait3A_238] : memref<256x128xf32, #tpu.memory_space<vmem>> -> memref<128x128xf32, #tpu.memory_space<vmem>>
    %dma_wait3A_240 = arith.constant 1152 : i32
    %dma_wait3A_241 = tpu.memref_slice %arg11[%dma_wait3A_240] : memref<2048xi32, #tpu.memory_space<vmem>> -> memref<128xi32, #tpu.memory_space<vmem>>
    %dma_wait3A_242 = arith.constant 0 : i32
    %dma_wait3A_243 = arith.constant 0 : i32
    %dma_wait3A_244 = tpu.memref_slice %arg6[%dma_wait3A_242, %dma_wait3A_243] : memref<50176x128xf32, #tpu.memory_space<hbm>> -> memref<50176x128xf32, #tpu.memory_space<hbm>>
    tpu.wait_indirect_dma semaphore(%arg14 : memref<!tpu.dma_semaphore, #tpu.memory_space<semaphore_mem>>) src(%dma_wait3A_244 : memref<50176x128xf32, #tpu.memory_space<hbm>>) dst(%dma_wait3A_239 : memref<128x128xf32, #tpu.memory_space<vmem>>)
    %dma_wait3A_245 = arith.constant 0 : i32
    %dma_wait3A_246 = tpu.memref_slice %arg8[%add3A_224, %dma_wait3A_245] : memref<16384x128xf32, #tpu.memory_space<hbm>> -> memref<256x128xf32, #tpu.memory_space<hbm>>
    %dma_wait3A_247 = arith.constant 0 : i32
    %dma_wait3A_248 = tpu.memref_slice %arg8[%add3A_224, %dma_wait3A_247] : memref<16384x128xf32, #tpu.memory_space<hbm>> -> memref<256x128xf32, #tpu.memory_space<hbm>>
    tpu.wait_dma2 semaphore(%arg16 : memref<!tpu.dma_semaphore, #tpu.memory_space<semaphore_mem>>) src(%arg13 : memref<256x128xf32, #tpu.memory_space<vmem>>) dst(%dma_wait3A_248 : memref<256x128xf32, #tpu.memory_space<hbm>>)
    %dma_start3A_249 = arith.constant 0 : i32
    %dma_start3A_250 = arith.constant 0 : i32
    %dma_start3A_251 = tpu.memref_slice %arg13[%dma_start3A_249, %dma_start3A_250] : memref<256x128xf32, #tpu.memory_space<vmem>> -> memref<128x128xf32, #tpu.memory_space<vmem>>
    %dma_start3A_252 = arith.constant 1280 : i32
    %dma_start3A_253 = tpu.memref_slice %arg11[%dma_start3A_252] : memref<2048xi32, #tpu.memory_space<vmem>> -> memref<128xi32, #tpu.memory_space<vmem>>
    %dma_start3A_254 = arith.constant 0 : i32
    %dma_start3A_255 = arith.constant 0 : i32
    %dma_start3A_256 = tpu.memref_slice %arg6[%dma_start3A_254, %dma_start3A_255] : memref<50176x128xf32, #tpu.memory_space<hbm>> -> memref<50176x128xf32, #tpu.memory_space<hbm>>
    tpu.enqueue_indirect_dma source(%dma_start3A_256 : memref<50176x128xf32, #tpu.memory_space<hbm>>) target(%dma_start3A_251 : memref<128x128xf32, #tpu.memory_space<vmem>>) offsets(%dma_start3A_253 : memref<128xi32, #tpu.memory_space<vmem>>) semaphore(%arg15 : memref<!tpu.dma_semaphore, #tpu.memory_space<semaphore_mem>>)
    %dma_start3A_257 = arith.constant 128 : i32
    %dma_start3A_258 = arith.constant 0 : i32
    %dma_start3A_259 = tpu.memref_slice %arg13[%dma_start3A_257, %dma_start3A_258] : memref<256x128xf32, #tpu.memory_space<vmem>> -> memref<128x128xf32, #tpu.memory_space<vmem>>
    %dma_start3A_260 = arith.constant 1408 : i32
    %dma_start3A_261 = tpu.memref_slice %arg11[%dma_start3A_260] : memref<2048xi32, #tpu.memory_space<vmem>> -> memref<128xi32, #tpu.memory_space<vmem>>
    %dma_start3A_262 = arith.constant 0 : i32
    %dma_start3A_263 = arith.constant 0 : i32
    %dma_start3A_264 = tpu.memref_slice %arg6[%dma_start3A_262, %dma_start3A_263] : memref<50176x128xf32, #tpu.memory_space<hbm>> -> memref<50176x128xf32, #tpu.memory_space<hbm>>
    tpu.enqueue_indirect_dma source(%dma_start3A_264 : memref<50176x128xf32, #tpu.memory_space<hbm>>) target(%dma_start3A_259 : memref<128x128xf32, #tpu.memory_space<vmem>>) offsets(%dma_start3A_261 : memref<128xi32, #tpu.memory_space<vmem>>) semaphore(%arg15 : memref<!tpu.dma_semaphore, #tpu.memory_space<semaphore_mem>>)
    %add3A_265 = arith.constant 0 : i32
    %add3A_266 = arith.addi %mul3A_2, %add3A_265 : i32
    %dma_start3A_267 = arith.constant 0 : i32
    %dma_start3A_268 = tpu.memref_slice %arg9[%add3A_266, %dma_start3A_267] : memref<16384x128xf32, #tpu.memory_space<hbm>> -> memref<256x128xf32, #tpu.memory_space<hbm>>
    %dma_start3A_269 = arith.constant 0 : i32
    %dma_start3A_270 = tpu.memref_slice %arg9[%add3A_266, %dma_start3A_269] : memref<16384x128xf32, #tpu.memory_space<hbm>> -> memref<256x128xf32, #tpu.memory_space<hbm>>
    tpu.enqueue_dma source(%arg12 : memref<256x128xf32, #tpu.memory_space<vmem>>) target(%dma_start3A_270 : memref<256x128xf32, #tpu.memory_space<hbm>>) target_semaphore(%arg16 : memref<!tpu.dma_semaphore, #tpu.memory_space<semaphore_mem>>)
    %dma_wait3A_271 = arith.constant 0 : i32
    %dma_wait3A_272 = arith.constant 0 : i32
    %dma_wait3A_273 = tpu.memref_slice %arg13[%dma_wait3A_271, %dma_wait3A_272] : memref<256x128xf32, #tpu.memory_space<vmem>> -> memref<128x128xf32, #tpu.memory_space<vmem>>
    %dma_wait3A_274 = arith.constant 1280 : i32
    %dma_wait3A_275 = tpu.memref_slice %arg11[%dma_wait3A_274] : memref<2048xi32, #tpu.memory_space<vmem>> -> memref<128xi32, #tpu.memory_space<vmem>>
    %dma_wait3A_276 = arith.constant 0 : i32
    %dma_wait3A_277 = arith.constant 0 : i32
    %dma_wait3A_278 = tpu.memref_slice %arg6[%dma_wait3A_276, %dma_wait3A_277] : memref<50176x128xf32, #tpu.memory_space<hbm>> -> memref<50176x128xf32, #tpu.memory_space<hbm>>
    tpu.wait_indirect_dma semaphore(%arg15 : memref<!tpu.dma_semaphore, #tpu.memory_space<semaphore_mem>>) src(%dma_wait3A_278 : memref<50176x128xf32, #tpu.memory_space<hbm>>) dst(%dma_wait3A_273 : memref<128x128xf32, #tpu.memory_space<vmem>>)
    %dma_wait3A_279 = arith.constant 128 : i32
    %dma_wait3A_280 = arith.constant 0 : i32
    %dma_wait3A_281 = tpu.memref_slice %arg13[%dma_wait3A_279, %dma_wait3A_280] : memref<256x128xf32, #tpu.memory_space<vmem>> -> memref<128x128xf32, #tpu.memory_space<vmem>>
    %dma_wait3A_282 = arith.constant 1408 : i32
    %dma_wait3A_283 = tpu.memref_slice %arg11[%dma_wait3A_282] : memref<2048xi32, #tpu.memory_space<vmem>> -> memref<128xi32, #tpu.memory_space<vmem>>
    %dma_wait3A_284 = arith.constant 0 : i32
    %dma_wait3A_285 = arith.constant 0 : i32
    %dma_wait3A_286 = tpu.memref_slice %arg6[%dma_wait3A_284, %dma_wait3A_285] : memref<50176x128xf32, #tpu.memory_space<hbm>> -> memref<50176x128xf32, #tpu.memory_space<hbm>>
    tpu.wait_indirect_dma semaphore(%arg15 : memref<!tpu.dma_semaphore, #tpu.memory_space<semaphore_mem>>) src(%dma_wait3A_286 : memref<50176x128xf32, #tpu.memory_space<hbm>>) dst(%dma_wait3A_281 : memref<128x128xf32, #tpu.memory_space<vmem>>)
    %dma_wait3A_287 = arith.constant 0 : i32
    %dma_wait3A_288 = tpu.memref_slice %arg9[%add3A_266, %dma_wait3A_287] : memref<16384x128xf32, #tpu.memory_space<hbm>> -> memref<256x128xf32, #tpu.memory_space<hbm>>
    %dma_wait3A_289 = arith.constant 0 : i32
    %dma_wait3A_290 = tpu.memref_slice %arg9[%add3A_266, %dma_wait3A_289] : memref<16384x128xf32, #tpu.memory_space<hbm>> -> memref<256x128xf32, #tpu.memory_space<hbm>>
    tpu.wait_dma2 semaphore(%arg16 : memref<!tpu.dma_semaphore, #tpu.memory_space<semaphore_mem>>) src(%arg12 : memref<256x128xf32, #tpu.memory_space<vmem>>) dst(%dma_wait3A_290 : memref<256x128xf32, #tpu.memory_space<hbm>>)
    %dma_start3A_291 = arith.constant 0 : i32
    %dma_start3A_292 = arith.constant 0 : i32
    %dma_start3A_293 = tpu.memref_slice %arg12[%dma_start3A_291, %dma_start3A_292] : memref<256x128xf32, #tpu.memory_space<vmem>> -> memref<128x128xf32, #tpu.memory_space<vmem>>
    %dma_start3A_294 = arith.constant 1536 : i32
    %dma_start3A_295 = tpu.memref_slice %arg11[%dma_start3A_294] : memref<2048xi32, #tpu.memory_space<vmem>> -> memref<128xi32, #tpu.memory_space<vmem>>
    %dma_start3A_296 = arith.constant 0 : i32
    %dma_start3A_297 = arith.constant 0 : i32
    %dma_start3A_298 = tpu.memref_slice %arg6[%dma_start3A_296, %dma_start3A_297] : memref<50176x128xf32, #tpu.memory_space<hbm>> -> memref<50176x128xf32, #tpu.memory_space<hbm>>
    tpu.enqueue_indirect_dma source(%dma_start3A_298 : memref<50176x128xf32, #tpu.memory_space<hbm>>) target(%dma_start3A_293 : memref<128x128xf32, #tpu.memory_space<vmem>>) offsets(%dma_start3A_295 : memref<128xi32, #tpu.memory_space<vmem>>) semaphore(%arg14 : memref<!tpu.dma_semaphore, #tpu.memory_space<semaphore_mem>>)
    %dma_start3A_299 = arith.constant 128 : i32
    %dma_start3A_300 = arith.constant 0 : i32
    %dma_start3A_301 = tpu.memref_slice %arg12[%dma_start3A_299, %dma_start3A_300] : memref<256x128xf32, #tpu.memory_space<vmem>> -> memref<128x128xf32, #tpu.memory_space<vmem>>
    %dma_start3A_302 = arith.constant 1664 : i32
    %dma_start3A_303 = tpu.memref_slice %arg11[%dma_start3A_302] : memref<2048xi32, #tpu.memory_space<vmem>> -> memref<128xi32, #tpu.memory_space<vmem>>
    %dma_start3A_304 = arith.constant 0 : i32
    %dma_start3A_305 = arith.constant 0 : i32
    %dma_start3A_306 = tpu.memref_slice %arg6[%dma_start3A_304, %dma_start3A_305] : memref<50176x128xf32, #tpu.memory_space<hbm>> -> memref<50176x128xf32, #tpu.memory_space<hbm>>
    tpu.enqueue_indirect_dma source(%dma_start3A_306 : memref<50176x128xf32, #tpu.memory_space<hbm>>) target(%dma_start3A_301 : memref<128x128xf32, #tpu.memory_space<vmem>>) offsets(%dma_start3A_303 : memref<128xi32, #tpu.memory_space<vmem>>) semaphore(%arg14 : memref<!tpu.dma_semaphore, #tpu.memory_space<semaphore_mem>>)
    %add3A_307 = arith.constant 256 : i32
    %add3A_308 = arith.addi %mul3A_2, %add3A_307 : i32
    %dma_start3A_309 = arith.constant 0 : i32
    %dma_start3A_310 = tpu.memref_slice %arg9[%add3A_308, %dma_start3A_309] : memref<16384x128xf32, #tpu.memory_space<hbm>> -> memref<256x128xf32, #tpu.memory_space<hbm>>
    %dma_start3A_311 = arith.constant 0 : i32
    %dma_start3A_312 = tpu.memref_slice %arg9[%add3A_308, %dma_start3A_311] : memref<16384x128xf32, #tpu.memory_space<hbm>> -> memref<256x128xf32, #tpu.memory_space<hbm>>
    tpu.enqueue_dma source(%arg13 : memref<256x128xf32, #tpu.memory_space<vmem>>) target(%dma_start3A_312 : memref<256x128xf32, #tpu.memory_space<hbm>>) target_semaphore(%arg16 : memref<!tpu.dma_semaphore, #tpu.memory_space<semaphore_mem>>)
    %dma_wait3A_313 = arith.constant 0 : i32
    %dma_wait3A_314 = arith.constant 0 : i32
    %dma_wait3A_315 = tpu.memref_slice %arg12[%dma_wait3A_313, %dma_wait3A_314] : memref<256x128xf32, #tpu.memory_space<vmem>> -> memref<128x128xf32, #tpu.memory_space<vmem>>
    %dma_wait3A_316 = arith.constant 1536 : i32
    %dma_wait3A_317 = tpu.memref_slice %arg11[%dma_wait3A_316] : memref<2048xi32, #tpu.memory_space<vmem>> -> memref<128xi32, #tpu.memory_space<vmem>>
    %dma_wait3A_318 = arith.constant 0 : i32
    %dma_wait3A_319 = arith.constant 0 : i32
    %dma_wait3A_320 = tpu.memref_slice %arg6[%dma_wait3A_318, %dma_wait3A_319] : memref<50176x128xf32, #tpu.memory_space<hbm>> -> memref<50176x128xf32, #tpu.memory_space<hbm>>
    tpu.wait_indirect_dma semaphore(%arg14 : memref<!tpu.dma_semaphore, #tpu.memory_space<semaphore_mem>>) src(%dma_wait3A_320 : memref<50176x128xf32, #tpu.memory_space<hbm>>) dst(%dma_wait3A_315 : memref<128x128xf32, #tpu.memory_space<vmem>>)
    %dma_wait3A_321 = arith.constant 128 : i32
    %dma_wait3A_322 = arith.constant 0 : i32
    %dma_wait3A_323 = tpu.memref_slice %arg12[%dma_wait3A_321, %dma_wait3A_322] : memref<256x128xf32, #tpu.memory_space<vmem>> -> memref<128x128xf32, #tpu.memory_space<vmem>>
    %dma_wait3A_324 = arith.constant 1664 : i32
    %dma_wait3A_325 = tpu.memref_slice %arg11[%dma_wait3A_324] : memref<2048xi32, #tpu.memory_space<vmem>> -> memref<128xi32, #tpu.memory_space<vmem>>
    %dma_wait3A_326 = arith.constant 0 : i32
    %dma_wait3A_327 = arith.constant 0 : i32
    %dma_wait3A_328 = tpu.memref_slice %arg6[%dma_wait3A_326, %dma_wait3A_327] : memref<50176x128xf32, #tpu.memory_space<hbm>> -> memref<50176x128xf32, #tpu.memory_space<hbm>>
    tpu.wait_indirect_dma semaphore(%arg14 : memref<!tpu.dma_semaphore, #tpu.memory_space<semaphore_mem>>) src(%dma_wait3A_328 : memref<50176x128xf32, #tpu.memory_space<hbm>>) dst(%dma_wait3A_323 : memref<128x128xf32, #tpu.memory_space<vmem>>)
    %dma_wait3A_329 = arith.constant 0 : i32
    %dma_wait3A_330 = tpu.memref_slice %arg9[%add3A_308, %dma_wait3A_329] : memref<16384x128xf32, #tpu.memory_space<hbm>> -> memref<256x128xf32, #tpu.memory_space<hbm>>
    %dma_wait3A_331 = arith.constant 0 : i32
    %dma_wait3A_332 = tpu.memref_slice %arg9[%add3A_308, %dma_wait3A_331] : memref<16384x128xf32, #tpu.memory_space<hbm>> -> memref<256x128xf32, #tpu.memory_space<hbm>>
    tpu.wait_dma2 semaphore(%arg16 : memref<!tpu.dma_semaphore, #tpu.memory_space<semaphore_mem>>) src(%arg13 : memref<256x128xf32, #tpu.memory_space<vmem>>) dst(%dma_wait3A_332 : memref<256x128xf32, #tpu.memory_space<hbm>>)
    %dma_start3A_333 = arith.constant 0 : i32
    %dma_start3A_334 = arith.constant 0 : i32
    %dma_start3A_335 = tpu.memref_slice %arg13[%dma_start3A_333, %dma_start3A_334] : memref<256x128xf32, #tpu.memory_space<vmem>> -> memref<128x128xf32, #tpu.memory_space<vmem>>
    %dma_start3A_336 = arith.constant 1792 : i32
    %dma_start3A_337 = tpu.memref_slice %arg11[%dma_start3A_336] : memref<2048xi32, #tpu.memory_space<vmem>> -> memref<128xi32, #tpu.memory_space<vmem>>
    %dma_start3A_338 = arith.constant 0 : i32
    %dma_start3A_339 = arith.constant 0 : i32
    %dma_start3A_340 = tpu.memref_slice %arg6[%dma_start3A_338, %dma_start3A_339] : memref<50176x128xf32, #tpu.memory_space<hbm>> -> memref<50176x128xf32, #tpu.memory_space<hbm>>
    tpu.enqueue_indirect_dma source(%dma_start3A_340 : memref<50176x128xf32, #tpu.memory_space<hbm>>) target(%dma_start3A_335 : memref<128x128xf32, #tpu.memory_space<vmem>>) offsets(%dma_start3A_337 : memref<128xi32, #tpu.memory_space<vmem>>) semaphore(%arg15 : memref<!tpu.dma_semaphore, #tpu.memory_space<semaphore_mem>>)
    %dma_start3A_341 = arith.constant 128 : i32
    %dma_start3A_342 = arith.constant 0 : i32
    %dma_start3A_343 = tpu.memref_slice %arg13[%dma_start3A_341, %dma_start3A_342] : memref<256x128xf32, #tpu.memory_space<vmem>> -> memref<128x128xf32, #tpu.memory_space<vmem>>
    %dma_start3A_344 = arith.constant 1920 : i32
    %dma_start3A_345 = tpu.memref_slice %arg11[%dma_start3A_344] : memref<2048xi32, #tpu.memory_space<vmem>> -> memref<128xi32, #tpu.memory_space<vmem>>
    %dma_start3A_346 = arith.constant 0 : i32
    %dma_start3A_347 = arith.constant 0 : i32
    %dma_start3A_348 = tpu.memref_slice %arg6[%dma_start3A_346, %dma_start3A_347] : memref<50176x128xf32, #tpu.memory_space<hbm>> -> memref<50176x128xf32, #tpu.memory_space<hbm>>
    tpu.enqueue_indirect_dma source(%dma_start3A_348 : memref<50176x128xf32, #tpu.memory_space<hbm>>) target(%dma_start3A_343 : memref<128x128xf32, #tpu.memory_space<vmem>>) offsets(%dma_start3A_345 : memref<128xi32, #tpu.memory_space<vmem>>) semaphore(%arg15 : memref<!tpu.dma_semaphore, #tpu.memory_space<semaphore_mem>>)
    %add3A_349 = arith.constant 0 : i32
    %add3A_350 = arith.addi %mul3A_2, %add3A_349 : i32
    %dma_start3A_351 = arith.constant 0 : i32
    %dma_start3A_352 = tpu.memref_slice %arg10[%add3A_350, %dma_start3A_351] : memref<16384x128xf32, #tpu.memory_space<hbm>> -> memref<256x128xf32, #tpu.memory_space<hbm>>
    %dma_start3A_353 = arith.constant 0 : i32
    %dma_start3A_354 = tpu.memref_slice %arg10[%add3A_350, %dma_start3A_353] : memref<16384x128xf32, #tpu.memory_space<hbm>> -> memref<256x128xf32, #tpu.memory_space<hbm>>
    tpu.enqueue_dma source(%arg12 : memref<256x128xf32, #tpu.memory_space<vmem>>) target(%dma_start3A_354 : memref<256x128xf32, #tpu.memory_space<hbm>>) target_semaphore(%arg16 : memref<!tpu.dma_semaphore, #tpu.memory_space<semaphore_mem>>)
    %dma_wait3A_355 = arith.constant 0 : i32
    %dma_wait3A_356 = arith.constant 0 : i32
    %dma_wait3A_357 = tpu.memref_slice %arg13[%dma_wait3A_355, %dma_wait3A_356] : memref<256x128xf32, #tpu.memory_space<vmem>> -> memref<128x128xf32, #tpu.memory_space<vmem>>
    %dma_wait3A_358 = arith.constant 1792 : i32
    %dma_wait3A_359 = tpu.memref_slice %arg11[%dma_wait3A_358] : memref<2048xi32, #tpu.memory_space<vmem>> -> memref<128xi32, #tpu.memory_space<vmem>>
    %dma_wait3A_360 = arith.constant 0 : i32
    %dma_wait3A_361 = arith.constant 0 : i32
    %dma_wait3A_362 = tpu.memref_slice %arg6[%dma_wait3A_360, %dma_wait3A_361] : memref<50176x128xf32, #tpu.memory_space<hbm>> -> memref<50176x128xf32, #tpu.memory_space<hbm>>
    tpu.wait_indirect_dma semaphore(%arg15 : memref<!tpu.dma_semaphore, #tpu.memory_space<semaphore_mem>>) src(%dma_wait3A_362 : memref<50176x128xf32, #tpu.memory_space<hbm>>) dst(%dma_wait3A_357 : memref<128x128xf32, #tpu.memory_space<vmem>>)
    %dma_wait3A_363 = arith.constant 128 : i32
    %dma_wait3A_364 = arith.constant 0 : i32
    %dma_wait3A_365 = tpu.memref_slice %arg13[%dma_wait3A_363, %dma_wait3A_364] : memref<256x128xf32, #tpu.memory_space<vmem>> -> memref<128x128xf32, #tpu.memory_space<vmem>>
    %dma_wait3A_366 = arith.constant 1920 : i32
    %dma_wait3A_367 = tpu.memref_slice %arg11[%dma_wait3A_366] : memref<2048xi32, #tpu.memory_space<vmem>> -> memref<128xi32, #tpu.memory_space<vmem>>
    %dma_wait3A_368 = arith.constant 0 : i32
    %dma_wait3A_369 = arith.constant 0 : i32
    %dma_wait3A_370 = tpu.memref_slice %arg6[%dma_wait3A_368, %dma_wait3A_369] : memref<50176x128xf32, #tpu.memory_space<hbm>> -> memref<50176x128xf32, #tpu.memory_space<hbm>>
    tpu.wait_indirect_dma semaphore(%arg15 : memref<!tpu.dma_semaphore, #tpu.memory_space<semaphore_mem>>) src(%dma_wait3A_370 : memref<50176x128xf32, #tpu.memory_space<hbm>>) dst(%dma_wait3A_365 : memref<128x128xf32, #tpu.memory_space<vmem>>)
    %add3A_371 = arith.constant 256 : i32
    %add3A_372 = arith.addi %mul3A_2, %add3A_371 : i32
    %dma_start3A_373 = arith.constant 0 : i32
    %dma_start3A_374 = tpu.memref_slice %arg10[%add3A_372, %dma_start3A_373] : memref<16384x128xf32, #tpu.memory_space<hbm>> -> memref<256x128xf32, #tpu.memory_space<hbm>>
    %dma_start3A_375 = arith.constant 0 : i32
    %dma_start3A_376 = tpu.memref_slice %arg10[%add3A_372, %dma_start3A_375] : memref<16384x128xf32, #tpu.memory_space<hbm>> -> memref<256x128xf32, #tpu.memory_space<hbm>>
    tpu.enqueue_dma source(%arg13 : memref<256x128xf32, #tpu.memory_space<vmem>>) target(%dma_start3A_376 : memref<256x128xf32, #tpu.memory_space<hbm>>) target_semaphore(%arg16 : memref<!tpu.dma_semaphore, #tpu.memory_space<semaphore_mem>>)
    %dma_wait3A_377 = arith.constant 0 : i32
    %dma_wait3A_378 = tpu.memref_slice %arg10[%add3A_372, %dma_wait3A_377] : memref<16384x128xf32, #tpu.memory_space<hbm>> -> memref<256x128xf32, #tpu.memory_space<hbm>>
    %dma_wait3A_379 = arith.constant 0 : i32
    %dma_wait3A_380 = tpu.memref_slice %arg10[%add3A_372, %dma_wait3A_379] : memref<16384x128xf32, #tpu.memory_space<hbm>> -> memref<256x128xf32, #tpu.memory_space<hbm>>
    tpu.wait_dma2 semaphore(%arg16 : memref<!tpu.dma_semaphore, #tpu.memory_space<semaphore_mem>>) src(%arg13 : memref<256x128xf32, #tpu.memory_space<vmem>>) dst(%dma_wait3A_380 : memref<256x128xf32, #tpu.memory_space<hbm>>)
    %dma_wait3A_381 = arith.constant 0 : i32
    %dma_wait3A_382 = tpu.memref_slice %arg10[%add3A_350, %dma_wait3A_381] : memref<16384x128xf32, #tpu.memory_space<hbm>> -> memref<256x128xf32, #tpu.memory_space<hbm>>
    %dma_wait3A_383 = arith.constant 0 : i32
    %dma_wait3A_384 = tpu.memref_slice %arg10[%add3A_350, %dma_wait3A_383] : memref<16384x128xf32, #tpu.memory_space<hbm>> -> memref<256x128xf32, #tpu.memory_space<hbm>>
    tpu.wait_dma2 semaphore(%arg16 : memref<!tpu.dma_semaphore, #tpu.memory_space<semaphore_mem>>) src(%arg12 : memref<256x128xf32, #tpu.memory_space<vmem>>) dst(%dma_wait3A_384 : memref<256x128xf32, #tpu.memory_space<hbm>>)
    return
  }
}

#map = affine_map<(d0, d1) -> (0)>
#map1 = affine_map<(d0, d1) -> (0, 0)>
module attributes {stable_mosaic.version = 14 : i64} {
  func.func @k(%arg0: i32, %arg1: i32, %arg2: memref<16384xi32, #tpu.memory_space<hbm>>, %arg3: memref<100352x128xf32, #tpu.memory_space<hbm>>, %arg4: memref<16384x128xf32, #tpu.memory_space<hbm>>, %arg5: memref<512xi32, #tpu.memory_space<vmem>>, %arg6: memref<256x128xf32, #tpu.memory_space<vmem>>, %arg7: memref<256x128xf32, #tpu.memory_space<vmem>>, %arg8: memref<!tpu.dma_semaphore, #tpu.memory_space<semaphore_mem>>, %arg9: memref<!tpu.dma_semaphore, #tpu.memory_space<semaphore_mem>>, %arg10: memref<!tpu.dma_semaphore, #tpu.memory_space<semaphore_mem>>) attributes {dimension_semantics = [#tpu.dimension_semantics<core_parallel>, #tpu.dimension_semantics<subcore_parallel>], iteration_bounds = array<i64: 2, 16>, scalar_prefetch = 0 : i64, scratch_operands = 6 : i64, tpu.core_type = #tpu.core_type<sc_vector_subcore>, window_params = [{transform_indices = #map}, {transform_indices = #map1}, {transform_indices = #map1}]} {
    %mul3A = arith.constant 2 : i32
    %mul3A_0 = arith.muli %arg1, %mul3A : i32
    %add3A = arith.addi %mul3A_0, %arg0 : i32
    %mul3A_1 = arith.constant 512 : i32
    %mul3A_2 = arith.muli %add3A, %mul3A_1 : i32
    %dma_start3A = arith.constant 0 : i32
    %dma_start3A_3 = tpu.memref_slice %arg5[%dma_start3A] : memref<512xi32, #tpu.memory_space<vmem>> -> memref<512xi32, #tpu.memory_space<vmem>>
    %dma_start3A_4 = tpu.memref_slice %arg2[%mul3A_2] : memref<16384xi32, #tpu.memory_space<hbm>> -> memref<512xi32, #tpu.memory_space<hbm>>
    %dma_start3A_5 = arith.constant 0 : i32
    %dma_start3A_6 = tpu.memref_slice %arg5[%dma_start3A_5] : memref<512xi32, #tpu.memory_space<vmem>> -> memref<512xi32, #tpu.memory_space<vmem>>
    %dma_start3A_7 = tpu.memref_slice %arg2[%mul3A_2] : memref<16384xi32, #tpu.memory_space<hbm>> -> memref<512xi32, #tpu.memory_space<hbm>>
    tpu.enqueue_dma source(%dma_start3A_7 : memref<512xi32, #tpu.memory_space<hbm>>) target(%dma_start3A_6 : memref<512xi32, #tpu.memory_space<vmem>>) target_semaphore(%arg10 : memref<!tpu.dma_semaphore, #tpu.memory_space<semaphore_mem>>)
    %dma_wait3A = arith.constant 0 : i32
    %dma_wait3A_8 = tpu.memref_slice %arg5[%dma_wait3A] : memref<512xi32, #tpu.memory_space<vmem>> -> memref<512xi32, #tpu.memory_space<vmem>>
    %dma_wait3A_9 = tpu.memref_slice %arg2[%mul3A_2] : memref<16384xi32, #tpu.memory_space<hbm>> -> memref<512xi32, #tpu.memory_space<hbm>>
    %dma_wait3A_10 = arith.constant 0 : i32
    %dma_wait3A_11 = tpu.memref_slice %arg5[%dma_wait3A_10] : memref<512xi32, #tpu.memory_space<vmem>> -> memref<512xi32, #tpu.memory_space<vmem>>
    %dma_wait3A_12 = tpu.memref_slice %arg2[%mul3A_2] : memref<16384xi32, #tpu.memory_space<hbm>> -> memref<512xi32, #tpu.memory_space<hbm>>
    tpu.wait_dma2 semaphore(%arg10 : memref<!tpu.dma_semaphore, #tpu.memory_space<semaphore_mem>>) src(%dma_wait3A_12 : memref<512xi32, #tpu.memory_space<hbm>>) dst(%dma_wait3A_11 : memref<512xi32, #tpu.memory_space<vmem>>)
    %dma_start3A_13 = arith.constant 0 : i32
    %dma_start3A_14 = arith.constant 0 : i32
    %dma_start3A_15 = tpu.memref_slice %arg6[%dma_start3A_13, %dma_start3A_14] : memref<256x128xf32, #tpu.memory_space<vmem>> -> memref<128x128xf32, #tpu.memory_space<vmem>>
    %dma_start3A_16 = arith.constant 0 : i32
    %dma_start3A_17 = tpu.memref_slice %arg5[%dma_start3A_16] : memref<512xi32, #tpu.memory_space<vmem>> -> memref<128xi32, #tpu.memory_space<vmem>>
    %dma_start3A_18 = arith.constant 0 : i32
    %dma_start3A_19 = arith.constant 0 : i32
    %dma_start3A_20 = tpu.memref_slice %arg3[%dma_start3A_18, %dma_start3A_19] : memref<100352x128xf32, #tpu.memory_space<hbm>> -> memref<100352x128xf32, #tpu.memory_space<hbm>>
    tpu.enqueue_indirect_dma source(%dma_start3A_20 : memref<100352x128xf32, #tpu.memory_space<hbm>>) target(%dma_start3A_15 : memref<128x128xf32, #tpu.memory_space<vmem>>) offsets(%dma_start3A_17 : memref<128xi32, #tpu.memory_space<vmem>>) semaphore(%arg8 : memref<!tpu.dma_semaphore, #tpu.memory_space<semaphore_mem>>)
    %dma_start3A_21 = arith.constant 128 : i32
    %dma_start3A_22 = arith.constant 0 : i32
    %dma_start3A_23 = tpu.memref_slice %arg6[%dma_start3A_21, %dma_start3A_22] : memref<256x128xf32, #tpu.memory_space<vmem>> -> memref<128x128xf32, #tpu.memory_space<vmem>>
    %dma_start3A_24 = arith.constant 128 : i32
    %dma_start3A_25 = tpu.memref_slice %arg5[%dma_start3A_24] : memref<512xi32, #tpu.memory_space<vmem>> -> memref<128xi32, #tpu.memory_space<vmem>>
    %dma_start3A_26 = arith.constant 0 : i32
    %dma_start3A_27 = arith.constant 0 : i32
    %dma_start3A_28 = tpu.memref_slice %arg3[%dma_start3A_26, %dma_start3A_27] : memref<100352x128xf32, #tpu.memory_space<hbm>> -> memref<100352x128xf32, #tpu.memory_space<hbm>>
    tpu.enqueue_indirect_dma source(%dma_start3A_28 : memref<100352x128xf32, #tpu.memory_space<hbm>>) target(%dma_start3A_23 : memref<128x128xf32, #tpu.memory_space<vmem>>) offsets(%dma_start3A_25 : memref<128xi32, #tpu.memory_space<vmem>>) semaphore(%arg8 : memref<!tpu.dma_semaphore, #tpu.memory_space<semaphore_mem>>)
    %dma_wait3A_29 = arith.constant 0 : i32
    %dma_wait3A_30 = arith.constant 0 : i32
    %dma_wait3A_31 = tpu.memref_slice %arg6[%dma_wait3A_29, %dma_wait3A_30] : memref<256x128xf32, #tpu.memory_space<vmem>> -> memref<128x128xf32, #tpu.memory_space<vmem>>
    %dma_wait3A_32 = arith.constant 0 : i32
    %dma_wait3A_33 = tpu.memref_slice %arg5[%dma_wait3A_32] : memref<512xi32, #tpu.memory_space<vmem>> -> memref<128xi32, #tpu.memory_space<vmem>>
    %dma_wait3A_34 = arith.constant 0 : i32
    %dma_wait3A_35 = arith.constant 0 : i32
    %dma_wait3A_36 = tpu.memref_slice %arg3[%dma_wait3A_34, %dma_wait3A_35] : memref<100352x128xf32, #tpu.memory_space<hbm>> -> memref<100352x128xf32, #tpu.memory_space<hbm>>
    tpu.wait_indirect_dma semaphore(%arg8 : memref<!tpu.dma_semaphore, #tpu.memory_space<semaphore_mem>>) src(%dma_wait3A_36 : memref<100352x128xf32, #tpu.memory_space<hbm>>) dst(%dma_wait3A_31 : memref<128x128xf32, #tpu.memory_space<vmem>>)
    %dma_wait3A_37 = arith.constant 128 : i32
    %dma_wait3A_38 = arith.constant 0 : i32
    %dma_wait3A_39 = tpu.memref_slice %arg6[%dma_wait3A_37, %dma_wait3A_38] : memref<256x128xf32, #tpu.memory_space<vmem>> -> memref<128x128xf32, #tpu.memory_space<vmem>>
    %dma_wait3A_40 = arith.constant 128 : i32
    %dma_wait3A_41 = tpu.memref_slice %arg5[%dma_wait3A_40] : memref<512xi32, #tpu.memory_space<vmem>> -> memref<128xi32, #tpu.memory_space<vmem>>
    %dma_wait3A_42 = arith.constant 0 : i32
    %dma_wait3A_43 = arith.constant 0 : i32
    %dma_wait3A_44 = tpu.memref_slice %arg3[%dma_wait3A_42, %dma_wait3A_43] : memref<100352x128xf32, #tpu.memory_space<hbm>> -> memref<100352x128xf32, #tpu.memory_space<hbm>>
    tpu.wait_indirect_dma semaphore(%arg8 : memref<!tpu.dma_semaphore, #tpu.memory_space<semaphore_mem>>) src(%dma_wait3A_44 : memref<100352x128xf32, #tpu.memory_space<hbm>>) dst(%dma_wait3A_39 : memref<128x128xf32, #tpu.memory_space<vmem>>)
    %dma_start3A_45 = arith.constant 0 : i32
    %dma_start3A_46 = arith.constant 0 : i32
    %dma_start3A_47 = tpu.memref_slice %arg7[%dma_start3A_45, %dma_start3A_46] : memref<256x128xf32, #tpu.memory_space<vmem>> -> memref<128x128xf32, #tpu.memory_space<vmem>>
    %dma_start3A_48 = arith.constant 256 : i32
    %dma_start3A_49 = tpu.memref_slice %arg5[%dma_start3A_48] : memref<512xi32, #tpu.memory_space<vmem>> -> memref<128xi32, #tpu.memory_space<vmem>>
    %dma_start3A_50 = arith.constant 0 : i32
    %dma_start3A_51 = arith.constant 0 : i32
    %dma_start3A_52 = tpu.memref_slice %arg3[%dma_start3A_50, %dma_start3A_51] : memref<100352x128xf32, #tpu.memory_space<hbm>> -> memref<100352x128xf32, #tpu.memory_space<hbm>>
    tpu.enqueue_indirect_dma source(%dma_start3A_52 : memref<100352x128xf32, #tpu.memory_space<hbm>>) target(%dma_start3A_47 : memref<128x128xf32, #tpu.memory_space<vmem>>) offsets(%dma_start3A_49 : memref<128xi32, #tpu.memory_space<vmem>>) semaphore(%arg9 : memref<!tpu.dma_semaphore, #tpu.memory_space<semaphore_mem>>)
    %dma_start3A_53 = arith.constant 128 : i32
    %dma_start3A_54 = arith.constant 0 : i32
    %dma_start3A_55 = tpu.memref_slice %arg7[%dma_start3A_53, %dma_start3A_54] : memref<256x128xf32, #tpu.memory_space<vmem>> -> memref<128x128xf32, #tpu.memory_space<vmem>>
    %dma_start3A_56 = arith.constant 384 : i32
    %dma_start3A_57 = tpu.memref_slice %arg5[%dma_start3A_56] : memref<512xi32, #tpu.memory_space<vmem>> -> memref<128xi32, #tpu.memory_space<vmem>>
    %dma_start3A_58 = arith.constant 0 : i32
    %dma_start3A_59 = arith.constant 0 : i32
    %dma_start3A_60 = tpu.memref_slice %arg3[%dma_start3A_58, %dma_start3A_59] : memref<100352x128xf32, #tpu.memory_space<hbm>> -> memref<100352x128xf32, #tpu.memory_space<hbm>>
    tpu.enqueue_indirect_dma source(%dma_start3A_60 : memref<100352x128xf32, #tpu.memory_space<hbm>>) target(%dma_start3A_55 : memref<128x128xf32, #tpu.memory_space<vmem>>) offsets(%dma_start3A_57 : memref<128xi32, #tpu.memory_space<vmem>>) semaphore(%arg9 : memref<!tpu.dma_semaphore, #tpu.memory_space<semaphore_mem>>)
    %add3A_61 = arith.constant 0 : i32
    %add3A_62 = arith.addi %mul3A_2, %add3A_61 : i32
    %dma_start3A_63 = arith.constant 0 : i32
    %dma_start3A_64 = tpu.memref_slice %arg4[%add3A_62, %dma_start3A_63] : memref<16384x128xf32, #tpu.memory_space<hbm>> -> memref<256x128xf32, #tpu.memory_space<hbm>>
    %dma_start3A_65 = arith.constant 0 : i32
    %dma_start3A_66 = tpu.memref_slice %arg4[%add3A_62, %dma_start3A_65] : memref<16384x128xf32, #tpu.memory_space<hbm>> -> memref<256x128xf32, #tpu.memory_space<hbm>>
    tpu.enqueue_dma source(%arg6 : memref<256x128xf32, #tpu.memory_space<vmem>>) target(%dma_start3A_66 : memref<256x128xf32, #tpu.memory_space<hbm>>) target_semaphore(%arg10 : memref<!tpu.dma_semaphore, #tpu.memory_space<semaphore_mem>>)
    %dma_wait3A_67 = arith.constant 0 : i32
    %dma_wait3A_68 = arith.constant 0 : i32
    %dma_wait3A_69 = tpu.memref_slice %arg7[%dma_wait3A_67, %dma_wait3A_68] : memref<256x128xf32, #tpu.memory_space<vmem>> -> memref<128x128xf32, #tpu.memory_space<vmem>>
    %dma_wait3A_70 = arith.constant 256 : i32
    %dma_wait3A_71 = tpu.memref_slice %arg5[%dma_wait3A_70] : memref<512xi32, #tpu.memory_space<vmem>> -> memref<128xi32, #tpu.memory_space<vmem>>
    %dma_wait3A_72 = arith.constant 0 : i32
    %dma_wait3A_73 = arith.constant 0 : i32
    %dma_wait3A_74 = tpu.memref_slice %arg3[%dma_wait3A_72, %dma_wait3A_73] : memref<100352x128xf32, #tpu.memory_space<hbm>> -> memref<100352x128xf32, #tpu.memory_space<hbm>>
    tpu.wait_indirect_dma semaphore(%arg9 : memref<!tpu.dma_semaphore, #tpu.memory_space<semaphore_mem>>) src(%dma_wait3A_74 : memref<100352x128xf32, #tpu.memory_space<hbm>>) dst(%dma_wait3A_69 : memref<128x128xf32, #tpu.memory_space<vmem>>)
    %dma_wait3A_75 = arith.constant 128 : i32
    %dma_wait3A_76 = arith.constant 0 : i32
    %dma_wait3A_77 = tpu.memref_slice %arg7[%dma_wait3A_75, %dma_wait3A_76] : memref<256x128xf32, #tpu.memory_space<vmem>> -> memref<128x128xf32, #tpu.memory_space<vmem>>
    %dma_wait3A_78 = arith.constant 384 : i32
    %dma_wait3A_79 = tpu.memref_slice %arg5[%dma_wait3A_78] : memref<512xi32, #tpu.memory_space<vmem>> -> memref<128xi32, #tpu.memory_space<vmem>>
    %dma_wait3A_80 = arith.constant 0 : i32
    %dma_wait3A_81 = arith.constant 0 : i32
    %dma_wait3A_82 = tpu.memref_slice %arg3[%dma_wait3A_80, %dma_wait3A_81] : memref<100352x128xf32, #tpu.memory_space<hbm>> -> memref<100352x128xf32, #tpu.memory_space<hbm>>
    tpu.wait_indirect_dma semaphore(%arg9 : memref<!tpu.dma_semaphore, #tpu.memory_space<semaphore_mem>>) src(%dma_wait3A_82 : memref<100352x128xf32, #tpu.memory_space<hbm>>) dst(%dma_wait3A_77 : memref<128x128xf32, #tpu.memory_space<vmem>>)
    %add3A_83 = arith.constant 256 : i32
    %add3A_84 = arith.addi %mul3A_2, %add3A_83 : i32
    %dma_start3A_85 = arith.constant 0 : i32
    %dma_start3A_86 = tpu.memref_slice %arg4[%add3A_84, %dma_start3A_85] : memref<16384x128xf32, #tpu.memory_space<hbm>> -> memref<256x128xf32, #tpu.memory_space<hbm>>
    %dma_start3A_87 = arith.constant 0 : i32
    %dma_start3A_88 = tpu.memref_slice %arg4[%add3A_84, %dma_start3A_87] : memref<16384x128xf32, #tpu.memory_space<hbm>> -> memref<256x128xf32, #tpu.memory_space<hbm>>
    tpu.enqueue_dma source(%arg7 : memref<256x128xf32, #tpu.memory_space<vmem>>) target(%dma_start3A_88 : memref<256x128xf32, #tpu.memory_space<hbm>>) target_semaphore(%arg10 : memref<!tpu.dma_semaphore, #tpu.memory_space<semaphore_mem>>)
    %dma_wait3A_89 = arith.constant 0 : i32
    %dma_wait3A_90 = tpu.memref_slice %arg4[%add3A_84, %dma_wait3A_89] : memref<16384x128xf32, #tpu.memory_space<hbm>> -> memref<256x128xf32, #tpu.memory_space<hbm>>
    %dma_wait3A_91 = arith.constant 0 : i32
    %dma_wait3A_92 = tpu.memref_slice %arg4[%add3A_84, %dma_wait3A_91] : memref<16384x128xf32, #tpu.memory_space<hbm>> -> memref<256x128xf32, #tpu.memory_space<hbm>>
    tpu.wait_dma2 semaphore(%arg10 : memref<!tpu.dma_semaphore, #tpu.memory_space<semaphore_mem>>) src(%arg7 : memref<256x128xf32, #tpu.memory_space<vmem>>) dst(%dma_wait3A_92 : memref<256x128xf32, #tpu.memory_space<hbm>>)
    %dma_wait3A_93 = arith.constant 0 : i32
    %dma_wait3A_94 = tpu.memref_slice %arg4[%add3A_62, %dma_wait3A_93] : memref<16384x128xf32, #tpu.memory_space<hbm>> -> memref<256x128xf32, #tpu.memory_space<hbm>>
    %dma_wait3A_95 = arith.constant 0 : i32
    %dma_wait3A_96 = tpu.memref_slice %arg4[%add3A_62, %dma_wait3A_95] : memref<16384x128xf32, #tpu.memory_space<hbm>> -> memref<256x128xf32, #tpu.memory_space<hbm>>
    tpu.wait_dma2 semaphore(%arg10 : memref<!tpu.dma_semaphore, #tpu.memory_space<semaphore_mem>>) src(%arg6 : memref<256x128xf32, #tpu.memory_space<vmem>>) dst(%dma_wait3A_96 : memref<256x128xf32, #tpu.memory_space<hbm>>)
    return
  }
}

module attributes {stable_mosaic.version = 14 : i64} {
  func.func @_ent_prep_body(%arg0: i32, %arg1: memref<64x1024xf32, #tpu.memory_space<vmem>>, %arg2: memref<512x128xf32, #tpu.memory_space<vmem>>) attributes {dimension_semantics = [#tpu.dimension_semantics<parallel>], iteration_bounds = array<i64: 98>, scalar_prefetch = 0 : i64, scratch_operands = 0 : i64, tpu.core_type = #tpu.core_type<tc>, window_params = [{transform_indices = @transform_0, window_bounds = array<i64: 64, 1024>}, {transform_indices = @transform_1, window_bounds = array<i64: 512, 128>}]} {
    %get3A = arith.constant 0 : index
    %get3A_0 = arith.constant 0 : index
    %get3A_1 = vector.load %arg1[%get3A, %get3A_0] : memref<64x1024xf32, #tpu.memory_space<vmem>>, vector<64x1024xf32>
    %iota3A = tpu.iota {dimensions = array<i32: 0>} : vector<64x64xi32>
    %iota3A_2 = tpu.iota {dimensions = array<i32: 1>} : vector<64x64xi32>
    %eq3A = arith.cmpi eq, %iota3A, %iota3A_2 : vector<64x64xi32>
    %convert_element_type3A = arith.extui %eq3A : vector<64x64xi1> to vector<64x64xi32>
    %convert_element_type3A_3 = arith.sitofp %convert_element_type3A : vector<64x64xi32> to vector<64x64xf32>
    %dot_general3A = arith.constant dense<0.000000e+00> : vector<1024x64xf32>
    %dot_general3A_4 = tpu.matmul %get3A_1, %convert_element_type3A_3, %dot_general3A {dimension_numbers = #tpu.dot_dimension_numbers<[0], [0], [1], [1], [0, 1, 1, 1], [], []>, transpose_lhs_hint = false} : vector<64x1024xf32>, vector<64x64xf32>, vector<1024x64xf32> -> vector<1024x64xf32>
    %slice3A = vector.extract_strided_slice %dot_general3A_4 {offsets = [0, 0], sizes = [512, 64], strides = [1, 1]} : vector<1024x64xf32> to vector<512x64xf32>
    %swap3A = arith.constant 0 : index
    %swap3A_5 = arith.constant 0 : index
    %swap3A_6 = vector.load %arg2[%swap3A, %swap3A_5] : memref<512x128xf32, #tpu.memory_space<vmem>>, vector<512x64xf32>
    tpu.vector_store %arg2[%swap3A, %swap3A_5], %slice3A {strides = array<i32>} : memref<512x128xf32, #tpu.memory_space<vmem>>, vector<512x64xf32>,
    %slice3A_7 = vector.extract_strided_slice %dot_general3A_4 {offsets = [512, 0], sizes = [512, 64], strides = [1, 1]} : vector<1024x64xf32> to vector<512x64xf32>
    %swap3A_8 = arith.constant 0 : index
    %swap3A_9 = arith.constant 64 : index
    %swap3A_10 = vector.load %arg2[%swap3A_8, %swap3A_9] : memref<512x128xf32, #tpu.memory_space<vmem>>, vector<512x64xf32>
    tpu.vector_store %arg2[%swap3A_8, %swap3A_9], %slice3A_7 {strides = array<i32>} : memref<512x128xf32, #tpu.memory_space<vmem>>, vector<512x64xf32>,
    return
  }
  func.func @transform_0(%arg0: i32) -> (i32, i32) {
    %c0_i32 = arith.constant 0 : i32
    %c0_i32_0 = arith.constant 0 : i32
    return %c0_i32, %arg0 : i32, i32
  }
  func.func @transform_1(%arg0: i32) -> (i32, i32) {
    %c0_i32 = arith.constant 0 : i32
    %c0_i32_0 = arith.constant 0 : i32
    return %arg0, %c0_i32 : i32, i32
  }
}

module attributes {stable_mosaic.version = 14 : i64} {
  func.func @_rel_prep_body(%arg0: i32, %arg1: memref<64x1024xf32, #tpu.memory_space<vmem>>, %arg2: memref<64x1024xf32, #tpu.memory_space<vmem>>, %arg3: memref<1024x128xf32, #tpu.memory_space<vmem>>) attributes {dimension_semantics = [#tpu.dimension_semantics<parallel>], iteration_bounds = array<i64: 98>, scalar_prefetch = 0 : i64, scratch_operands = 0 : i64, tpu.core_type = #tpu.core_type<tc>, window_params = [{transform_indices = @transform_0, window_bounds = array<i64: 64, 1024>}, {transform_indices = @transform_1, window_bounds = array<i64: 64, 1024>}, {transform_indices = @transform_2, window_bounds = array<i64: 1024, 128>}]} {
    %get3A = arith.constant 0 : index
    %get3A_0 = arith.constant 0 : index
    %get3A_1 = vector.load %arg1[%get3A, %get3A_0] : memref<64x1024xf32, #tpu.memory_space<vmem>>, vector<64x1024xf32>
    %iota3A = tpu.iota {dimensions = array<i32: 0>} : vector<64x64xi32>
    %iota3A_2 = tpu.iota {dimensions = array<i32: 1>} : vector<64x64xi32>
    %eq3A = arith.cmpi eq, %iota3A, %iota3A_2 : vector<64x64xi32>
    %convert_element_type3A = arith.extui %eq3A : vector<64x64xi1> to vector<64x64xi32>
    %convert_element_type3A_3 = arith.sitofp %convert_element_type3A : vector<64x64xi32> to vector<64x64xf32>
    %dot_general3A = arith.constant dense<0.000000e+00> : vector<1024x64xf32>
    %dot_general3A_4 = tpu.matmul %get3A_1, %convert_element_type3A_3, %dot_general3A {dimension_numbers = #tpu.dot_dimension_numbers<[0], [0], [1], [1], [0, 1, 1, 1], [], []>, transpose_lhs_hint = false} : vector<64x1024xf32>, vector<64x64xf32>, vector<1024x64xf32> -> vector<1024x64xf32>
    %swap3A = arith.constant 0 : index
    %swap3A_5 = arith.constant 0 : index
    %swap3A_6 = vector.load %arg3[%swap3A, %swap3A_5] : memref<1024x128xf32, #tpu.memory_space<vmem>>, vector<1024x64xf32>
    tpu.vector_store %arg3[%swap3A, %swap3A_5], %dot_general3A_4 {strides = array<i32>} : memref<1024x128xf32, #tpu.memory_space<vmem>>, vector<1024x64xf32>,
    %get3A_7 = arith.constant 0 : index
    %get3A_8 = arith.constant 0 : index
    %get3A_9 = vector.load %arg2[%get3A_7, %get3A_8] : memref<64x1024xf32, #tpu.memory_space<vmem>>, vector<64x1024xf32>
    %iota3A_10 = tpu.iota {dimensions = array<i32: 0>} : vector<64x64xi32>
    %iota3A_11 = tpu.iota {dimensions = array<i32: 1>} : vector<64x64xi32>
    %eq3A_12 = arith.cmpi eq, %iota3A_10, %iota3A_11 : vector<64x64xi32>
    %convert_element_type3A_13 = arith.extui %eq3A_12 : vector<64x64xi1> to vector<64x64xi32>
    %convert_element_type3A_14 = arith.sitofp %convert_element_type3A_13 : vector<64x64xi32> to vector<64x64xf32>
    %dot_general3A_15 = arith.constant dense<0.000000e+00> : vector<1024x64xf32>
    %dot_general3A_16 = tpu.matmul %get3A_9, %convert_element_type3A_14, %dot_general3A_15 {dimension_numbers = #tpu.dot_dimension_numbers<[0], [0], [1], [1], [0, 1, 1, 1], [], []>, transpose_lhs_hint = false} : vector<64x1024xf32>, vector<64x64xf32>, vector<1024x64xf32> -> vector<1024x64xf32>
    %swap3A_17 = arith.constant 0 : index
    %swap3A_18 = arith.constant 64 : index
    %swap3A_19 = vector.load %arg3[%swap3A_17, %swap3A_18] : memref<1024x128xf32, #tpu.memory_space<vmem>>, vector<1024x64xf32>
    tpu.vector_store %arg3[%swap3A_17, %swap3A_18], %dot_general3A_16 {strides = array<i32>} : memref<1024x128xf32, #tpu.memory_space<vmem>>, vector<1024x64xf32>,
    return
  }
  func.func @transform_0(%arg0: i32) -> (i32, i32) {
    %c0_i32 = arith.constant 0 : i32
    %c0_i32_0 = arith.constant 0 : i32
    return %c0_i32, %arg0 : i32, i32
  }
  func.func @transform_1(%arg0: i32) -> (i32, i32) {
    %c0_i32 = arith.constant 0 : i32
    %c0_i32_0 = arith.constant 0 : i32
    return %c0_i32, %arg0 : i32, i32
  }
  func.func @transform_2(%arg0: i32) -> (i32, i32) {
    %c0_i32 = arith.constant 0 : i32
    %c0_i32_0 = arith.constant 0 : i32
    return %arg0, %c0_i32 : i32, i32
  }
}

module attributes {stable_mosaic.version = 14 : i64} {
  func.func @_tc_loss_body(%arg0: i32, %arg1: memref<2048x128xf32, #tpu.memory_space<vmem>>, %arg2: memref<2048x128xf32, #tpu.memory_space<vmem>>, %arg3: memref<2048x128xf32, #tpu.memory_space<vmem>>, %arg4: memref<2048x128xf32, #tpu.memory_space<vmem>>, %arg5: memref<2048x128xf32, #tpu.memory_space<vmem>>, %arg6: memref<2048x4xf32, #tpu.memory_space<vmem>>, %arg7: memref<1x1x1xf32, #tpu.memory_space<smem>>) attributes {dimension_semantics = [#tpu.dimension_semantics<parallel>], iteration_bounds = array<i64: 8>, scalar_prefetch = 0 : i64, scratch_operands = 0 : i64, tpu.core_type = #tpu.core_type<tc>, window_params = [{transform_indices = @transform_0, window_bounds = array<i64: 2048, 128>}, {transform_indices = @transform_1, window_bounds = array<i64: 2048, 128>}, {transform_indices = @transform_2, window_bounds = array<i64: 2048, 128>}, {transform_indices = @transform_3, window_bounds = array<i64: 2048, 128>}, {transform_indices = @transform_4, window_bounds = array<i64: 2048, 128>}, {transform_indices = @transform_5, window_bounds = array<i64: 2048, 4>}, {transform_indices = @transform_6, window_bounds = array<i64: 1, 1, 1>}]} {
    %get3A = arith.constant 0 : index
    %get3A_0 = arith.constant 0 : index
    %get3A_1 = vector.load %arg6[%get3A, %get3A_0] : memref<2048x4xf32, #tpu.memory_space<vmem>>, vector<2048x4xf32>
    %get3A_2 = arith.constant 0 : index
    %get3A_3 = arith.constant 0 : index
    %get3A_4 = vector.load %arg1[%get3A_2, %get3A_3] : memref<2048x128xf32, #tpu.memory_space<vmem>>, vector<2048x128xf32>
    %slice3A = vector.extract_strided_slice %get3A_1 {offsets = [0, 0], sizes = [2048, 1], strides = [1, 1]} : vector<2048x4xf32> to vector<2048x1xf32>
    %eq3A = arith.constant 0.000000e+00 : f32
    %eq3A_5 = vector.broadcast %eq3A : f32 to vector<2048x1xf32>
    %eq3A_6 = arith.cmpf oeq, %slice3A, %eq3A_5 : vector<2048x1xf32>
    %slice3A_7 = vector.extract_strided_slice %get3A_4 {offsets = [0, 0], sizes = [2048, 64], strides = [1, 1]} : vector<2048x128xf32> to vector<2048x64xf32>
    %slice3A_8 = vector.extract_strided_slice %get3A_4 {offsets = [0, 64], sizes = [2048, 64], strides = [1, 1]} : vector<2048x128xf32> to vector<2048x64xf32>
    %broadcast_in_dim3A = vector.shape_cast %eq3A_6 : vector<2048x1xi1> to vector<2048x1xi1>
    %broadcast_in_dim3A_9 = vector.broadcast %broadcast_in_dim3A : vector<2048x1xi1> to vector<2048x64xi1>
    %select_n3A = arith.select %broadcast_in_dim3A_9, %slice3A_7, %slice3A_8 : vector<2048x64xi1>, vector<2048x64xf32>
    %get3A_10 = arith.constant 0 : index
    %get3A_11 = arith.constant 0 : index
    %get3A_12 = vector.load %arg2[%get3A_10, %get3A_11] : memref<2048x128xf32, #tpu.memory_space<vmem>>, vector<2048x128xf32>
    %slice3A_13 = vector.extract_strided_slice %get3A_1 {offsets = [0, 1], sizes = [2048, 1], strides = [1, 1]} : vector<2048x4xf32> to vector<2048x1xf32>
    %eq3A_14 = arith.constant 0.000000e+00 : f32
    %eq3A_15 = vector.broadcast %eq3A_14 : f32 to vector<2048x1xf32>
    %eq3A_16 = arith.cmpf oeq, %slice3A_13, %eq3A_15 : vector<2048x1xf32>
    %slice3A_17 = vector.extract_strided_slice %get3A_12 {offsets = [0, 0], sizes = [2048, 64], strides = [1, 1]} : vector<2048x128xf32> to vector<2048x64xf32>
    %slice3A_18 = vector.extract_strided_slice %get3A_12 {offsets = [0, 64], sizes = [2048, 64], strides = [1, 1]} : vector<2048x128xf32> to vector<2048x64xf32>
    %broadcast_in_dim3A_19 = vector.shape_cast %eq3A_16 : vector<2048x1xi1> to vector<2048x1xi1>
    %broadcast_in_dim3A_20 = vector.broadcast %broadcast_in_dim3A_19 : vector<2048x1xi1> to vector<2048x64xi1>
    %select_n3A_21 = arith.select %broadcast_in_dim3A_20, %slice3A_17, %slice3A_18 : vector<2048x64xi1>, vector<2048x64xf32>
    %get3A_22 = arith.constant 0 : index
    %get3A_23 = arith.constant 0 : index
    %get3A_24 = vector.load %arg3[%get3A_22, %get3A_23] : memref<2048x128xf32, #tpu.memory_space<vmem>>, vector<2048x128xf32>
    %slice3A_25 = vector.extract_strided_slice %get3A_1 {offsets = [0, 2], sizes = [2048, 1], strides = [1, 1]} : vector<2048x4xf32> to vector<2048x1xf32>
    %eq3A_26 = arith.constant 0.000000e+00 : f32
    %eq3A_27 = vector.broadcast %eq3A_26 : f32 to vector<2048x1xf32>
    %eq3A_28 = arith.cmpf oeq, %slice3A_25, %eq3A_27 : vector<2048x1xf32>
    %slice3A_29 = vector.extract_strided_slice %get3A_24 {offsets = [0, 0], sizes = [2048, 64], strides = [1, 1]} : vector<2048x128xf32> to vector<2048x64xf32>
    %slice3A_30 = vector.extract_strided_slice %get3A_24 {offsets = [0, 64], sizes = [2048, 64], strides = [1, 1]} : vector<2048x128xf32> to vector<2048x64xf32>
    %broadcast_in_dim3A_31 = vector.shape_cast %eq3A_28 : vector<2048x1xi1> to vector<2048x1xi1>
    %broadcast_in_dim3A_32 = vector.broadcast %broadcast_in_dim3A_31 : vector<2048x1xi1> to vector<2048x64xi1>
    %select_n3A_33 = arith.select %broadcast_in_dim3A_32, %slice3A_29, %slice3A_30 : vector<2048x64xi1>, vector<2048x64xf32>
    %get3A_34 = arith.constant 0 : index
    %get3A_35 = arith.constant 0 : index
    %get3A_36 = vector.load %arg4[%get3A_34, %get3A_35] : memref<2048x128xf32, #tpu.memory_space<vmem>>, vector<2048x128xf32>
    %slice3A_37 = vector.extract_strided_slice %get3A_1 {offsets = [0, 3], sizes = [2048, 1], strides = [1, 1]} : vector<2048x4xf32> to vector<2048x1xf32>
    %eq3A_38 = arith.constant 0.000000e+00 : f32
    %eq3A_39 = vector.broadcast %eq3A_38 : f32 to vector<2048x1xf32>
    %eq3A_40 = arith.cmpf oeq, %slice3A_37, %eq3A_39 : vector<2048x1xf32>
    %slice3A_41 = vector.extract_strided_slice %get3A_36 {offsets = [0, 0], sizes = [2048, 64], strides = [1, 1]} : vector<2048x128xf32> to vector<2048x64xf32>
    %slice3A_42 = vector.extract_strided_slice %get3A_36 {offsets = [0, 64], sizes = [2048, 64], strides = [1, 1]} : vector<2048x128xf32> to vector<2048x64xf32>
    %broadcast_in_dim3A_43 = vector.shape_cast %eq3A_40 : vector<2048x1xi1> to vector<2048x1xi1>
    %broadcast_in_dim3A_44 = vector.broadcast %broadcast_in_dim3A_43 : vector<2048x1xi1> to vector<2048x64xi1>
    %select_n3A_45 = arith.select %broadcast_in_dim3A_44, %slice3A_41, %slice3A_42 : vector<2048x64xi1>, vector<2048x64xf32>
    %get3A_46 = arith.constant 0 : index
    %get3A_47 = arith.constant 0 : index
    %get3A_48 = vector.load %arg5[%get3A_46, %get3A_47] : memref<2048x128xf32, #tpu.memory_space<vmem>>, vector<2048x128xf32>
    %slice3A_49 = vector.extract_strided_slice %get3A_48 {offsets = [0, 0], sizes = [2048, 64], strides = [1, 1]} : vector<2048x128xf32> to vector<2048x64xf32>
    %slice3A_50 = vector.extract_strided_slice %get3A_48 {offsets = [0, 64], sizes = [2048, 64], strides = [1, 1]} : vector<2048x128xf32> to vector<2048x64xf32>
    %sub3A = arith.subf %select_n3A, %select_n3A_21 : vector<2048x64xf32>
    %sub3A_51 = arith.subf %select_n3A_33, %select_n3A_45 : vector<2048x64xf32>
    %mul3A = arith.mulf %slice3A_49, %sub3A : vector<2048x64xf32>
    %mul3A_52 = arith.mulf %slice3A_49, %sub3A_51 : vector<2048x64xf32>
    %concatenate3A = tpu.concatenate %mul3A, %mul3A_52 in 1 : vector<2048x64xf32>, vector<2048x64xf32> -> vector<2048x128xf32>
    %iota3A = tpu.iota {dimensions = array<i32: 0>} : vector<128x2xi32>
    %jit3A = arith.constant 64 : i32
    %div3A = vector.broadcast %jit3A : i32 to vector<128x2xi32>
    %div3A_53 = arith.divsi %iota3A, %div3A : vector<128x2xi32>
    %sign3A = arith.constant 0 : i32
    %sign3A_54 = vector.broadcast %sign3A : i32 to vector<128x2xi32>
    %sign3A_55 = arith.cmpi sgt, %iota3A, %sign3A_54 : vector<128x2xi32>
    %sign3A_56 = arith.extui %sign3A_55 : vector<128x2xi1> to vector<128x2xi32>
    %sign3A_57 = arith.constant 0 : i32
    %sign3A_58 = vector.broadcast %sign3A_57 : i32 to vector<128x2xi32>
    %sign3A_59 = arith.cmpi slt, %iota3A, %sign3A_58 : vector<128x2xi32>
    %sign3A_60 = arith.extui %sign3A_59 : vector<128x2xi1> to vector<128x2xi32>
    %sign3A_61 = arith.subi %sign3A_56, %sign3A_60 : vector<128x2xi32>
    %sign3A_62 = arith.constant 0 : i32
    %sign3A_63 = arith.cmpi sgt, %jit3A, %sign3A_62 : i32
    %sign3A_64 = arith.extui %sign3A_63 : i1 to i32
    %sign3A_65 = arith.constant 0 : i32
    %sign3A_66 = arith.cmpi slt, %jit3A, %sign3A_65 : i32
    %sign3A_67 = arith.extui %sign3A_66 : i1 to i32
    %sign3A_68 = arith.subi %sign3A_64, %sign3A_67 : i32
    %ne3A = vector.broadcast %sign3A_68 : i32 to vector<128x2xi32>
    %ne3A_69 = arith.cmpi ne, %sign3A_61, %ne3A : vector<128x2xi32>
    %rem3A = vector.broadcast %jit3A : i32 to vector<128x2xi32>
    %rem3A_70 = arith.remsi %iota3A, %rem3A : vector<128x2xi32>
    %ne3A_71 = arith.constant 0 : i32
    %ne3A_72 = vector.broadcast %ne3A_71 : i32 to vector<128x2xi32>
    %ne3A_73 = arith.cmpi ne, %rem3A_70, %ne3A_72 : vector<128x2xi32>
    %and3A = arith.andi %ne3A_69, %ne3A_73 : vector<128x2xi1>
    %sub3A_74 = arith.constant 1 : i32
    %sub3A_75 = vector.broadcast %sub3A_74 : i32 to vector<128x2xi32>
    %sub3A_76 = arith.subi %div3A_53, %sub3A_75 : vector<128x2xi32>
    %select_n3A_77 = arith.select %and3A, %sub3A_76, %div3A_53 : vector<128x2xi1>, vector<128x2xi32>
    %iota3A_78 = tpu.iota {dimensions = array<i32: 1>} : vector<128x2xi32>
    %eq3A_79 = arith.cmpi eq, %select_n3A_77, %iota3A_78 : vector<128x2xi32>
    %convert_element_type3A = arith.extui %eq3A_79 : vector<128x2xi1> to vector<128x2xi32>
    %convert_element_type3A_80 = arith.sitofp %convert_element_type3A : vector<128x2xi32> to vector<128x2xf32>
    %dot_general3A = arith.constant dense<0.000000e+00> : vector<2048x2xf32>
    %dot_general3A_81 = tpu.matmul %concatenate3A, %convert_element_type3A_80, %dot_general3A {dimension_numbers = #tpu.dot_dimension_numbers<[1], [0], [0], [1], [0, 0, 1, 1], [], []>, transpose_lhs_hint = false} : vector<2048x128xf32>, vector<128x2xf32>, vector<2048x2xf32> -> vector<2048x2xf32>
    %slice3A_82 = vector.extract_strided_slice %dot_general3A_81 {offsets = [0, 0], sizes = [2048, 1], strides = [1, 1]} : vector<2048x2xf32> to vector<2048x1xf32>
    %mul3A_83 = vector.broadcast %slice3A_82 : vector<2048x1xf32> to vector<2048x64xf32>
    %mul3A_84 = arith.mulf %mul3A_83, %slice3A_49 : vector<2048x64xf32>
    %sub3A_85 = arith.subf %sub3A, %mul3A_84 : vector<2048x64xf32>
    %add3A = arith.addf %sub3A_85, %slice3A_50 : vector<2048x64xf32>
    %add3A_86 = arith.constant 9.99999997E-7 : f32
    %add3A_87 = vector.broadcast %add3A_86 : f32 to vector<2048x64xf32>
    %add3A_88 = arith.addf %add3A, %add3A_87 : vector<2048x64xf32>
    %slice3A_89 = vector.extract_strided_slice %dot_general3A_81 {offsets = [0, 1], sizes = [2048, 1], strides = [1, 1]} : vector<2048x2xf32> to vector<2048x1xf32>
    %mul3A_90 = vector.broadcast %slice3A_89 : vector<2048x1xf32> to vector<2048x64xf32>
    %mul3A_91 = arith.mulf %mul3A_90, %slice3A_49 : vector<2048x64xf32>
    %sub3A_92 = arith.subf %sub3A_51, %mul3A_91 : vector<2048x64xf32>
    %add3A_93 = arith.addf %sub3A_92, %slice3A_50 : vector<2048x64xf32>
    %add3A_94 = arith.constant 9.99999997E-7 : f32
    %add3A_95 = vector.broadcast %add3A_94 : f32 to vector<2048x64xf32>
    %add3A_96 = arith.addf %add3A_93, %add3A_95 : vector<2048x64xf32>
    %mul3A_97 = arith.mulf %add3A_88, %add3A_88 : vector<2048x64xf32>
    %mul3A_98 = arith.mulf %add3A_96, %add3A_96 : vector<2048x64xf32>
    %mul3A_99 = arith.mulf %select_n3A, %select_n3A : vector<2048x64xf32>
    %mul3A_100 = arith.mulf %select_n3A_21, %select_n3A_21 : vector<2048x64xf32>
    %mul3A_101 = arith.mulf %select_n3A_33, %select_n3A_33 : vector<2048x64xf32>
    %mul3A_102 = arith.mulf %select_n3A_45, %select_n3A_45 : vector<2048x64xf32>
    %concatenate3A_103 = tpu.concatenate %mul3A_97, %mul3A_98, %mul3A_99, %mul3A_100, %mul3A_101, %mul3A_102 in 1 : vector<2048x64xf32>, vector<2048x64xf32>, vector<2048x64xf32>, vector<2048x64xf32>, vector<2048x64xf32>, vector<2048x64xf32> -> vector<2048x384xf32>
    %iota3A_104 = tpu.iota {dimensions = array<i32: 0>} : vector<384x6xi32>
    %jit3A_105 = arith.constant 64 : i32
    %div3A_106 = vector.broadcast %jit3A_105 : i32 to vector<384x6xi32>
    %div3A_107 = arith.divsi %iota3A_104, %div3A_106 : vector<384x6xi32>
    %sign3A_108 = arith.constant 0 : i32
    %sign3A_109 = vector.broadcast %sign3A_108 : i32 to vector<384x6xi32>
    %sign3A_110 = arith.cmpi sgt, %iota3A_104, %sign3A_109 : vector<384x6xi32>
    %sign3A_111 = arith.extui %sign3A_110 : vector<384x6xi1> to vector<384x6xi32>
    %sign3A_112 = arith.constant 0 : i32
    %sign3A_113 = vector.broadcast %sign3A_112 : i32 to vector<384x6xi32>
    %sign3A_114 = arith.cmpi slt, %iota3A_104, %sign3A_113 : vector<384x6xi32>
    %sign3A_115 = arith.extui %sign3A_114 : vector<384x6xi1> to vector<384x6xi32>
    %sign3A_116 = arith.subi %sign3A_111, %sign3A_115 : vector<384x6xi32>
    %sign3A_117 = arith.constant 0 : i32
    %sign3A_118 = arith.cmpi sgt, %jit3A_105, %sign3A_117 : i32
    %sign3A_119 = arith.extui %sign3A_118 : i1 to i32
    %sign3A_120 = arith.constant 0 : i32
    %sign3A_121 = arith.cmpi slt, %jit3A_105, %sign3A_120 : i32
    %sign3A_122 = arith.extui %sign3A_121 : i1 to i32
    %sign3A_123 = arith.subi %sign3A_119, %sign3A_122 : i32
    %ne3A_124 = vector.broadcast %sign3A_123 : i32 to vector<384x6xi32>
    %ne3A_125 = arith.cmpi ne, %sign3A_116, %ne3A_124 : vector<384x6xi32>
    %rem3A_126 = vector.broadcast %jit3A_105 : i32 to vector<384x6xi32>
    %rem3A_127 = arith.remsi %iota3A_104, %rem3A_126 : vector<384x6xi32>
    %ne3A_128 = arith.constant 0 : i32
    %ne3A_129 = vector.broadcast %ne3A_128 : i32 to vector<384x6xi32>
    %ne3A_130 = arith.cmpi ne, %rem3A_127, %ne3A_129 : vector<384x6xi32>
    %and3A_131 = arith.andi %ne3A_125, %ne3A_130 : vector<384x6xi1>
    %sub3A_132 = arith.constant 1 : i32
    %sub3A_133 = vector.broadcast %sub3A_132 : i32 to vector<384x6xi32>
    %sub3A_134 = arith.subi %div3A_107, %sub3A_133 : vector<384x6xi32>
    %select_n3A_135 = arith.select %and3A_131, %sub3A_134, %div3A_107 : vector<384x6xi1>, vector<384x6xi32>
    %iota3A_136 = tpu.iota {dimensions = array<i32: 1>} : vector<384x6xi32>
    %eq3A_137 = arith.cmpi eq, %select_n3A_135, %iota3A_136 : vector<384x6xi32>
    %convert_element_type3A_138 = arith.extui %eq3A_137 : vector<384x6xi1> to vector<384x6xi32>
    %convert_element_type3A_139 = arith.sitofp %convert_element_type3A_138 : vector<384x6xi32> to vector<384x6xf32>
    %dot_general3A_140 = arith.constant dense<0.000000e+00> : vector<2048x6xf32>
    %dot_general3A_141 = tpu.matmul %concatenate3A_103, %convert_element_type3A_139, %dot_general3A_140 {dimension_numbers = #tpu.dot_dimension_numbers<[1], [0], [0], [1], [0, 0, 1, 1], [], []>, transpose_lhs_hint = false} : vector<2048x384xf32>, vector<384x6xf32>, vector<2048x6xf32> -> vector<2048x6xf32>
    %slice3A_142 = vector.extract_strided_slice %dot_general3A_141 {offsets = [0, 0], sizes = [2048, 1], strides = [1, 1]} : vector<2048x6xf32> to vector<2048x1xf32>
    %sqrt3A = math.sqrt %slice3A_142 : vector<2048x1xf32>
    %slice3A_143 = vector.extract_strided_slice %dot_general3A_141 {offsets = [0, 1], sizes = [2048, 1], strides = [1, 1]} : vector<2048x6xf32> to vector<2048x1xf32>
    %sqrt3A_144 = math.sqrt %slice3A_143 : vector<2048x1xf32>
    %sub3A_145 = arith.subf %sqrt3A, %sqrt3A_144 : vector<2048x1xf32>
    %add3A_146 = arith.constant 1.000000e+00 : f32
    %add3A_147 = vector.broadcast %add3A_146 : f32 to vector<2048x1xf32>
    %add3A_148 = arith.addf %sub3A_145, %add3A_147 : vector<2048x1xf32>
    %max3A = arith.constant 0.000000e+00 : f32
    %max3A_149 = vector.broadcast %max3A : f32 to vector<2048x1xf32>
    %max3A_150 = arith.maximumf %add3A_148, %max3A_149 : vector<2048x1xf32>
    %reduce_sum3A = vector.shape_cast %max3A_150 : vector<2048x1xf32> to vector<1x2048x1xf32>
    %reduce_sum3A_151 = arith.constant dense<0.000000e+00> : vector<1xf32>
    %reduce_sum3A_152 = vector.multi_reduction <add>, %reduce_sum3A, %reduce_sum3A_151 [1, 2] : vector<1x2048x1xf32> to vector<1xf32>
    %reduce_sum3A_153 = vector.shape_cast %reduce_sum3A_152 : vector<1xf32> to vector<1x1x1xf32>
    %reduce_sum3A_154 = vector.extract %reduce_sum3A_153[0, 0, 0] : f32 from vector<1x1x1xf32>
    %slice3A_155 = vector.extract_strided_slice %dot_general3A_141 {offsets = [0, 2], sizes = [2048, 4], strides = [1, 1]} : vector<2048x6xf32> to vector<2048x4xf32>
    %sqrt3A_156 = math.sqrt %slice3A_155 : vector<2048x4xf32>
    %sub3A_157 = arith.constant 1.000000e+00 : f32
    %sub3A_158 = vector.broadcast %sub3A_157 : f32 to vector<2048x4xf32>
    %sub3A_159 = arith.subf %sqrt3A_156, %sub3A_158 : vector<2048x4xf32>
    %max3A_160 = arith.constant 0.000000e+00 : f32
    %max3A_161 = vector.broadcast %max3A_160 : f32 to vector<2048x4xf32>
    %max3A_162 = arith.maximumf %sub3A_159, %max3A_161 : vector<2048x4xf32>
    %reduce_sum3A_163 = vector.shape_cast %max3A_162 : vector<2048x4xf32> to vector<1x2048x4xf32>
    %reduce_sum3A_164 = arith.constant dense<0.000000e+00> : vector<1xf32>
    %reduce_sum3A_165 = vector.multi_reduction <add>, %reduce_sum3A_163, %reduce_sum3A_164 [1, 2] : vector<1x2048x4xf32> to vector<1xf32>
    %reduce_sum3A_166 = vector.shape_cast %reduce_sum3A_165 : vector<1xf32> to vector<1x1x1xf32>
    %reduce_sum3A_167 = vector.extract %reduce_sum3A_166[0, 0, 0] : f32 from vector<1x1x1xf32>
    %add3A_168 = arith.addf %reduce_sum3A_154, %reduce_sum3A_167 : f32
    %swap3A = arith.constant 0 : index
    %swap3A_169 = arith.constant 0 : index
    %swap3A_170 = arith.constant 0 : index
    %swap3A_171 = memref.load %arg7[%swap3A, %swap3A_169, %swap3A_170] : memref<1x1x1xf32, #tpu.memory_space<smem>>
    memref.store %add3A_168, %arg7[%swap3A, %swap3A_169, %swap3A_170] : memref<1x1x1xf32, #tpu.memory_space<smem>>
    return
  }
  func.func @transform_0(%arg0: i32) -> (i32, i32) {
    %c0_i32 = arith.constant 0 : i32
    %c0_i32_0 = arith.constant 0 : i32
    return %arg0, %c0_i32 : i32, i32
  }
  func.func @transform_1(%arg0: i32) -> (i32, i32) {
    %c0_i32 = arith.constant 0 : i32
    %c0_i32_0 = arith.constant 0 : i32
    return %arg0, %c0_i32 : i32, i32
  }
  func.func @transform_2(%arg0: i32) -> (i32, i32) {
    %c0_i32 = arith.constant 0 : i32
    %c0_i32_0 = arith.constant 0 : i32
    return %arg0, %c0_i32 : i32, i32
  }
  func.func @transform_3(%arg0: i32) -> (i32, i32) {
    %c0_i32 = arith.constant 0 : i32
    %c0_i32_0 = arith.constant 0 : i32
    return %arg0, %c0_i32 : i32, i32
  }
  func.func @transform_4(%arg0: i32) -> (i32, i32) {
    %c0_i32 = arith.constant 0 : i32
    %c0_i32_0 = arith.constant 0 : i32
    return %arg0, %c0_i32 : i32, i32
  }
  func.func @transform_5(%arg0: i32) -> (i32, i32) {
    %c0_i32 = arith.constant 0 : i32
    %c0_i32_0 = arith.constant 0 : i32
    return %arg0, %c0_i32 : i32, i32
  }
  func.func @transform_6(%arg0: i32) -> (i32, i32, i32) {
    %c0_i32 = arith.constant 0 : i32
    %c0_i32_0 = arith.constant 0 : i32
    %c0_i32_1 = arith.constant 0 : i32
    return %arg0, %c0_i32, %c0_i32_0 : i32, i32, i32
  }
}

</mosaic_0001>

<sc_bundles>
// kernel: kernel.10.cloned.1.call-start
scs
__scs_entry_jumppad:
0x0: {  	(pc) =	sbr.rel $0x88, $3  }
0x1: {  	(tag) =	ssettag $0x0;
	lr =	simm.s32 $0x1  }
0x2: {  	[smem:$0x3F9C] =	sst lr;
	_ =	strace $0xD0000000  }
0x3: {  	_ = 	snop  }
0x4: {  	_ = 	snop  }
0x5: {  	_ = 	snop  }
0x6: {  	_ = 	snop  }
0x7: {  	_ = 	snop  }
__scs_overlays_trampoline_lowered:
0x8: {  	[smem:$0x3FAB] =	sst s0  }
0x9: {  	[smem:$0x3FAC] =	sst s1  }
0xa: {  	[smem:$0x3FAD] =	sst s2  }
0xb: {  	[smem:$0x3FAE] =	sst s3  }
0xc: {  	[smem:$0x3FAF] =	sst s4  }
0xd: {  	[smem:$0x3FB0] =	sst s5  }
0xe: {  	[smem:$0x3FB1] =	sst s6  }
0xf: {  	[smem:$0x3FB2] =	sst s7  }
0x10: {  	[smem:$0x3FB3] =	sst s8  }
0x11: {  	[smem:$0x3FB4] =	sst s9;
	s0 =	simm.s32 @!p0 $0x0  }
0x12: {  	s1 =	sld [smem:$0x3F9A];
	s0 =	simm.s32 @p0 $0x1  }
0x13: {  	[smem:$0x3FB5] =	sst s0;
	s0 =	simm.s32 @!p1 $0x0  }
0x14: {  	s2 =	sld [smem:$0x3F99];
	s0 =	simm.s32 @p1 $0x1  }
0x15: {  	[smem:$0x3FB6] =	sst s0;
	s0 =	simm.s32 @!p2 $0x0  }
0x16: {  	s3 =	sld [smem:$0x3FDB];
	s0 =	simm.s32 @p2 $0x1  }
0x17: {  	s4 =	simm.s32 $0x1BF5;
	[smem:$0x3FB8] =	sst s0  }
0x18: {  	s0 =	sld [smem:$0x3F9B];
	_ =	swait.ge [sflag:s4], $0x0  }
0x19: {  	s7 =	sld [smem:$0x3F9C]  }
0x1a: {  	s8 =	sadd.s32 $0xFFFFE003, lr  }
0x1b: {  	s9 =	sadd.s32 $0xFFFFFEF7, lr;
	s5 =	simm.s32 $0xFFFFFFFF;
	p2 =	slt.u32 s8, $0xFFFFF086  }
0x1c: {  	p1 =	slt.u32 s9, $0xF7A;
	s5 =	simm.s32 @!p2 $0x0  }
0x1d: {  	s5 =	simm.s32 @p1 $0x1;
	p0 =	seq.s32 s7, s2  }
0x1e: {  	s7 =	smul.u32 @!p0 $0xF7A, s2;
	p2 =	seq.s32 @!p0 s5, $0x0  }
0x1f: {  	s9 =	smul.u32 $0xF7A, s1;
	s8 =	simm.s32 @!p0 $0x1BF5;
	p2 =	por !p2, p0  }
0x20: {  	[sflag:s8] =	ssyncset.s32 @!p0 $0xFFFFF086;
	s6 =	sadd.s32 @!p0 s3, s7;
	s7 =	simm.s32 @!p0 $0x108  }
0x21: {  	s3 =	sadd.s32 s3, s9;
	s6 =	sadd.s32 @!p0 $0x88, s6;
	s7 =	simm.s32 @p2 $0x1082  }
0x22: {  	[simem:s7], [sflag:s8] =	dma.local @!p0 [hbm:s6], $0xF7A  }
0x23: {  	s9 =	sor.u32 $0xD0000000, s2;
	s6 =	simm.s32 $0x108;
	_ =	swait.ge @!p0 [sflag:s8], $0x0  }
0x24: {  	s3 =	sadd.s32 $0x88, s3;
	s6 =	simm.s32 @!p1 $0x1082;
	[sflag:s4] =	ssyncset.s32 $0xFFFFF086  }
0x25: {  	[simem:s6], [sflag:s4] =	dma.local [hbm:s3], $0xF7A  }
0x26: {  	[smem:$0x3F9C] =	sst s1;
	(tag) =	ssettag s2;
	_ =	strace s9  }
0x27: {  	s1 =	sld [smem:$0x3FAC]  }
0x28: {  	s2 =	sld [smem:$0x3FAD]  }
0x29: {  	s4 =	sld [smem:$0x3FAF]  }
0x2a: {  	p0 =	seq.s32 s5, $0x0;
	s5 =	sld [smem:$0x3FB0]  }
0x2b: {  	s6 =	sld [smem:$0x3FB1]  }
0x2c: {  	s7 =	sld [smem:$0x3FB2]  }
0x2d: {  	s3 =	simm.s32 $0x108;
	s8 =	sld [smem:$0x3FB3]  }
0x2e: {  	s3 =	simm.s32 @!p0 $0x1082;
	s9 =	sld [smem:$0x3FB4]  }
0x2f: {  	lr =	sadd.s32 s0, s3;
	s0 =	sld [smem:$0x3FAB]  }
0x30: {  	s3 =	sld [smem:$0x3FAE]  }
0x31: {  	[smem:$0x3FB7] =	sst s10  }
0x32: {  	s10 =	sld [smem:$0x3FB5];
	_ =	sdelay $0x3  }
0x33: {  	p0 =	seq.s32 s10, $0x1;
	s10 =	sld [smem:$0x3FB7];
	_ =	sdelay $0x3  }
0x34: {  	[smem:$0x3FB7] =	sst s10  }
0x35: {  	s10 =	sld [smem:$0x3FB6];
	_ =	sdelay $0x3  }
0x36: {  	p1 =	seq.s32 s10, $0x1;
	s10 =	sld [smem:$0x3FB7];
	_ =	sdelay $0x3  }
0x37: {  	[smem:$0x3FB7] =	sst s10  }
0x38: {  	s10 =	sld [smem:$0x3FB8]  }
0x39: {  	_ = 	snop;
	(pc) =	sbr.ind lr, $3  }
0x3a: {  	_ = 	snop  }
0x3b: {  	_ = 	snop  }
0x3c: {  	p2 =	seq.s32 s10, $0x1;
	s10 =	sld [smem:$0x3FB7]  }
0x3d: {  	_ =	shalt  }
0x3e: {  	_ =	shalt  }
0x3f: {  	_ =	shalt  }
0x40: {  	_ =	shalt  }
0x41: {  	_ =	shalt  }
0x42: {  	_ =	shalt  }
0x43: {  	_ =	shalt  }
0x44: {  	_ =	shalt  }
0x45: {  	_ =	shalt  }
0x46: {  	_ =	shalt  }
0x47: {  	_ =	shalt  }
0x48: {  	_ =	shalt  }
0x49: {  	_ =	shalt  }
0x4a: {  	_ =	shalt  }
0x4b: {  	_ =	shalt  }
0x4c: {  	_ =	shalt  }
0x4d: {  	_ =	shalt  }
0x4e: {  	_ =	shalt  }
0x4f: {  	_ =	shalt  }
0x50: {  	_ =	shalt  }
0x51: {  	_ =	shalt  }
0x52: {  	_ =	shalt  }
0x53: {  	_ =	shalt  }
0x54: {  	_ =	shalt  }
0x55: {  	_ =	shalt  }
0x56: {  	_ =	shalt  }
0x57: {  	_ =	shalt  }
0x58: {  	_ =	shalt  }
0x59: {  	_ =	shalt  }
0x5a: {  	_ =	shalt  }
0x5b: {  	_ =	shalt  }
0x5c: {  	_ =	shalt  }
0x5d: {  	_ =	shalt  }
0x5e: {  	_ =	shalt  }
0x5f: {  	_ =	shalt  }
0x60: {  	_ =	shalt  }
0x61: {  	_ =	shalt  }
0x62: {  	_ =	shalt  }
0x63: {  	_ =	shalt  }
0x64: {  	_ =	shalt  }
0x65: {  	_ =	shalt  }
0x66: {  	_ =	shalt  }
0x67: {  	_ =	shalt  }
0x68: {  	_ =	shalt  }
0x69: {  	_ =	shalt  }
0x6a: {  	_ =	shalt  }
0x6b: {  	_ =	shalt  }
0x6c: {  	_ =	shalt  }
0x6d: {  	_ =	shalt  }
0x6e: {  	_ =	shalt  }
0x6f: {  	_ =	shalt  }
0x70: {  	_ =	shalt  }
0x71: {  	_ =	shalt  }
0x72: {  	_ =	shalt  }
0x73: {  	_ =	shalt  }
0x74: {  	_ =	shalt  }
0x75: {  	_ =	shalt  }
0x76: {  	_ =	shalt  }
0x77: {  	_ =	shalt  }
0x78: {  	_ =	shalt  }
0x79: {  	_ =	shalt  }
0x7a: {  	_ =	shalt  }
0x7b: {  	_ =	shalt  }
0x7c: {  	_ =	shalt  }
0x7d: {  	_ =	shalt  }
0x7e: {  	_ =	shalt  }
0x7f: {  	_ =	shalt  }
0x80: {  	_ =	shalt  }
0x81: {  	_ =	shalt  }
0x82: {  	_ =	shalt  }
0x83: {  	_ =	shalt  }
0x84: {  	_ =	shalt  }
0x85: {  	_ =	shalt  }
0x86: {  	_ =	shalt  }
0x87: {  	_ =	shalt  }
.Lfunc_end0:
.L_simem_size_0:
called_computation.1_lowered:
.L_overlay_start_0:
0x88: {  	s2 =	sld [smem:$0x3FD9]  }
0x89: {  	s3 =	sld [smem:$0x3FFE];
	_ =	sdelay $0x1  }
0x8a: {  	s1 =	srdreg.scid  }
0x8b: {  	s0 =	sand.u32 $0x1, s1  }
0x8c: {  	s17 =	sshll.u32 s0, $0xA;
	s2 =	sadd.s32 s3, s2  }
0x8d: {  	s2 =	sadd.s32 s2, s17  }
0x8e: {  	[smem:$0x3FC3] =	sst s2  }
0x8f: {  	_ = 	snop  }
0x90: {  	(tm) =	ssettm $0x1  }
0x91: {  	s18 =	sld [smem:$0x3FFB];
	_ =	sdelay $0x3  }
0x92: {  	_ =	strace s18  }
0x93: {  	s2 =	sld [smem:$0x3FFC];
	_ =	sdelay $0x3  }
0x94: {  	_ =	strace s2  }
0x95: {  	s2 =	sld [smem:$0x3FFD];
	_ =	sdelay $0x3  }
0x96: {  	_ =	strace s2  }
0x97: {  	_ =	strace $0x8FFFFFFF  }
0x98: {  	s19 =	sld [smem:$0x3FDB];
	_ =	sdelay $0x1  }
0x99: {  	s20 =	simm.s32 $_scs_section_size  }
0x9a: {  	s4 =	simm.s32 $_size__tile_overlayer_lowered;
	s5 =	simm.s32 $_tile_overlayer_lowered  }
0x9b: {  	s6 =	simm.s32 $0x1BFF;
	s21 =	sshll.u32 s5, $0x1;
	s3 =	sadd.s32 s20, s19  }
0x9c: {  	s22 =	simm.s32 $0x0;
	s4 =	sshll.u32 s4, $0x1;
	s5 =	sadd.s32 s21, s3  }
0x9d: {  	[timem:s22], [sflag:s6] =	dma.local [hbm:s5], s4  }
0x9e: {  	_ =	swait.ge [sflag:s6], s4  }
0x9f: {  	s4 =	ssub.s32 $0x0, s4;
	[sflag:s6] =	ssyncset.done $0x0  }
0xa0: {  	[sflag:s6] =	ssyncadd.s32 s4;
	_ =	sdelay $0x1  }
0xa1: {  	s23 =	simm.s32 $0x1B8B  }
0xa2: {  	_ =	swait.ge [sflag:s23], $0x1  }
0xa3: {  	[sflag:s23] =	ssyncset.done $0x0  }
0xa4: {  	[sflag:s23] =	ssyncadd.s32 $0xFFFFFFFF  }
0xa5: {  	s4 =	sld [smem:$0x0]  }
0xa6: {  	s5 =	sand.u32 $0xFFFFFFFE, s1  }
0xa7: {  	p0 =	sne.s32 s1, s5  }
0xa8: {  	s5 =	sshll.u32 @p0 s5, $0xE  }
0xa9: {  	s5 =	sadd.s32 @p0 $0x11B8D, s5;
	s6 =	sshll.u32 @p0 s4, $0x11  }
0xaa: {  	s5 =	sor.u32 @p0 s6, s5  }
0xab: {  	[sflag:s5] =	ssyncadd.remote.s32 @p0 $0x1;
	_ =	sdelay $0x1  }
0xac: {  	s5 =	simm.s32 @p0 $0x1B8D  }
0xad: {  	_ =	swait.eq @p0 [sflag:s5], $0x1  }
0xae: {  	[sflag:s5] =	ssyncadd.s32 @p0 $0xFFFFFFFF  }
0xaf: {  	s6 =	sshll.u32 @!p0 s1, $0xE  }
0xb0: {  	s6 =	sor.u32 @!p0 $0x4000, s6;
	s5 =	simm.s32 @!p0 $0x1B8D  }
0xb1: {  	s4 =	sshll.u32 @!p0 s4, $0x11;
	s6 =	sadd.s32 @!p0 $0x11B8D, s6;
	_ =	swait.eq @!p0 [sflag:s5], $0x1  }
0xb2: {  	s4 =	sor.u32 @!p0 s4, s6;
	[sflag:s5] =	ssyncadd.s32 @!p0 $0xFFFFFFFF  }
0xb3: {  	s25 =	simm.s32 $0x1B8E;
	s24 =	sld [smem:$0x3FFE];
	[sflag:s4] =	ssyncadd.remote.s32 @!p0 $0x1  }
0xb4: {  	s26 =	simm.s32 $execute0_lowered;
	[smem:$0x3FD2] =	sst s25  }
0xb5: {  	s5 =	sshll.u32 s26, $0x1;
	_ =	strace $0x80000049;
	[dreg:$0x1] =	wrdreg $0xFFFFFFFF  }
0xb6: {  	s28 =	simm.s32 $_size_execute0_lowered;
	s3 =	sadd.s32 s3, s5;
	[dreg:$0x0] =	wrdreg $0x0  }
0xb7: {  	s5 =	sshll.u32 s28, $0x1;
	[dreg:$0x2] =	wrdreg s3  }
0xb8: {  	[dreg:$0x3] =	wrdreg s5  }
0xb9: {  	[dreg:$0x4] =	wrdreg $0xC0  }
0xba: {  	_ =	task [dreg:s22], $0x5FFFF  }
0xbb: {  	[dreg:$0x1] =	wrdreg $0xFFFFFFFF  }
0xbc: {  	[dreg:$0x0] =	wrdreg $0x60  }
0xbd: {  	[dreg:$0x2] =	wrdreg s24  }
0xbe: {  	[dreg:$0x3] =	wrdreg $0xA  }
0xbf: {  	_ =	task.clear_ibuf [dreg:s22], $0x4FFFF;
	_ =	strace $0x90000049  }
0xc0: {  	s29 =	simm.s32 $0xA;
	_ =	strace $0x8000004B  }
0xc1: {  	_ =	swait.ge [sflag:s29], $0x1  }
0xc2: {  	[sflag:s29] =	ssyncadd.s32 $0xFFFFFFFF  }
0xc3: {  	_ =	strace $0x9000004B  }
0xc4: {  	_ =	sfence  }
0xc5: {  	s30 =	sld [smem:$0x0];
	_ =	sdelay $0x2  }
0xc6: {  	s31 =	sshll.u32 s1, $0xD;
	s1 =	sshrl.u32 s1, $0x2  }
0xc7: {  	s4 =	sand.u32 $0x4000, s31;
	s1 =	sadd.s32 s1, s30  }
0xc8: {  	s0 =	sor.u32 s4, s0;
	s1 =	sshll.u32 s1, $0x11  }
0xc9: {  	s0 =	sor.u32 s1, s0  }
0xca: {  	s0 =	sadd.s32 $0x8F2B, s0  }
0xcb: {  	[sflag:s0] =	ssyncadd.remote.s32 $0x1  }
0xcc: {  	_ =	sfence.sel $0xFFFF  }
0xcd: {  	[dreg:$0x0] =	wrdreg $0xFFFFFFFF;
	(pc) =	sbr.abs _section_cstart, $3  }
0xce: {  	[dreg:$0x1] =	wrdreg $0xFFFFFFFF  }
0xcf: {  	_ =	task.clear_ibuf [dreg:s22], $0x2FFFF;
	_ =	strace $0x9FFFFFFF  }
0xd0: {  	(tm) =	ssettm $0x7FFFFFFF  }
0xd1: {  	_ =	shalt  }
tec
execute0_lowered:
.L_overlay_start_1:
0x0: {  	(tag) =	ssettag $0x1  }
0x1: {  	s1 =	srdreg.scid  }
0x2: {  	s0 =	stileid.u32;
	s16 =	sand.u32 $0x1, s1  }
0x3: {  	s30 =	sshll.u32 s0, $0xA;
	s2 =	sshll.u32 s16, $0x9  }
0x4: {  	s12 =	rddreg [dreg:$0x0];
	s10 =	sor.u32 s2, s30  }
0x5: {  	s1 =	rddreg [dreg:$0x1];
	s2 =	simm.s32 $0x0;
	s3 =	sshrl.u32 s10, $0x3  }
0x6: {  	[smem:$0x7FF] =	sst s2;
	s3 =	sadd.s32 s3, s12  }
0x7: {  	_ =	strace $0x8000004A;
	s4 =	sadd.s32 $0xC7200, s3;
	s3 =	simm.s32 $0x3  }
0x8: {  	[tilespmem:s2], [sflag:$0x3] =	stream.linear.gather [hbm4b:s4+s2], $0x200, $0x38;
	[tilespmem:$0x10200] =	vst v63  }
0x9: {  	_ =	swait.ge [sflag:s3], $0x200  }
0xa: {  	s6 =	simm.s32 $0x80;
	[sflag:s3] =	ssyncset.done $0x0  }
0xb: {  	s7 =	simm.s32 $0x200;
	s5 =	sadd.s32 $0x1C7A00, s12;
	[sflag:s3] =	ssyncadd.s32 $0xFFFFFE00  }
0xc: {  	[tilespmem:s7], [sflag:$0x1] =	stream.indirect.gather [hbm4b:s5+s6], $0x80, s2, s6, $0xb8;
	[tilespmem:$0x10200] =	vst v63  }
0xd: {  	s8 =	simm.s32 $0x4200;
	s9 =	simm.s32 $0x1  }
0xe: {  	[tilespmem:s8], [sflag:$0x1] =	stream.indirect.gather [hbm4b:s5+s6], $0x80, s6, s6, $0xb8;
	[tilespmem:$0x10200] =	vst v63  }
0xf: {  	_ =	swait.ge [sflag:s9], $0x4000  }
0x10: {  	[sflag:s9] =	ssyncset.done $0x0  }
0x11: {  	[sflag:s9] =	ssyncadd.s32 $0xFFFFC000  }
0x12: {  	_ =	swait.ge [sflag:s9], $0x4000  }
0x13: {  	s11 =	simm.s32 $0x8200;
	[sflag:s9] =	ssyncset.done $0x0  }
0x14: {  	s13 =	sshll.u32 s10, $0x4;
	s10 =	simm.s32 $0x100;
	[sflag:s9] =	ssyncadd.s32 $0xFFFFC000  }
0x15: {  	[tilespmem:s11], [sflag:$0x2] =	stream.indirect.gather [hbm4b:s5+s6], $0x80, s10, s6, $0xb8;
	[tilespmem:$0x10200] =	vst v63  }
0x16: {  	s17 =	sadd.s32 s13, s12;
	s12 =	simm.s32 $0x180;
	s13 =	simm.s32 $0xC200  }
0x17: {  	[tilespmem:s13], [sflag:$0x2] =	stream.indirect.gather [hbm4b:s5+s6], $0x80, s12, s6, $0xb8;
	[tilespmem:$0x10200] =	vst v63  }
0x18: {  	s15 =	simm.s32 $0x2;
	s14 =	sadd.s32 $0x34FA00, s17  }
0x19: {  	[hbm4b:s14+s2] =	stream.linear.scatter [tilespmem:s7], [sflag:$0x3], $0x8000, $0x38;
	[tilespmem:$0x10200] =	vst v63  }
0x1a: {  	_ =	swait.ge [sflag:s15], $0x4000  }
0x1b: {  	s18 =	ssub.s32 $0x2, s16;
	[sflag:s15] =	ssyncset.done $0x0  }
0x1c: {  	s31 =	sshrl.u32 s18, $0x1;
	[sflag:s15] =	ssyncadd.s32 $0xFFFFC000  }
0x1d: {  	s16 =	sadd.s32 $0x350A00, s17;
	s17 =	ssub.s32 s18, s31;
	_ =	swait.ge [sflag:s15], $0x4000  }
0x1e: {  	s17 =	smax.u32 s17, $0x1;
	[sflag:s15] =	ssyncset.done $0x0  }
0x1f: {  	p0 =	sne.s32 s17, $0x1;
	[sflag:s15] =	ssyncadd.s32 $0xFFFFC000  }
0x20: {  	[hbm4b:s16+s2] =	stream.linear.scatter [tilespmem:s11], [sflag:$0x3], $0x8000, $0x38;
	[tilespmem:$0x10200] =	vst v63  }
.Ltmp0:
0x21: {  	_ =	swait.ge [sflag:s3], $0x8000;
	(pc) =	sbr.rel @!p0 .LBB2_2-.Ltmp0, $4  }
0x22: {  	[sflag:s3] =	ssyncset.done $0x0  }
0x23: {  	[sflag:s3] =	ssyncadd.s32 $0xFFFF8000  }
0x24: {  	_ =	swait.ge [sflag:s3], $0x8000  }
0x25: {  	s17 =	sadd.s32 $0xFFFFFFFF, s17;
	[sflag:s3] =	ssyncset.done $0x0  }
.LBB2_1:
0x26: {  	p0 =	sne.s32 s17, $0x1;
	s17 =	sadd.s32 $0xFFFFFFFF, s17;
	[sflag:s3] =	ssyncadd.s32 $0xFFFF8000  }
0x27: {  	[tilespmem:s2], [sflag:$0x3] =	stream.linear.gather [hbm4b:s4+s2], $0x200, $0x38;
	[tilespmem:$0x10200] =	vst v63  }
0x28: {  	_ =	swait.ge [sflag:s3], $0x200  }
0x29: {  	[sflag:s3] =	ssyncset.done $0x0  }
0x2a: {  	[sflag:s3] =	ssyncadd.s32 $0xFFFFFE00  }
0x2b: {  	[tilespmem:s7], [sflag:$0x1] =	stream.indirect.gather [hbm4b:s5+s6], $0x80, s2, s6, $0xb8;
	[tilespmem:$0x10200] =	vst v63  }
0x2c: {  	_ = 	snop  }
0x2d: {  	[tilespmem:s8], [sflag:$0x1] =	stream.indirect.gather [hbm4b:s5+s6], $0x80, s6, s6, $0xb8;
	[tilespmem:$0x10200] =	vst v63  }
0x2e: {  	_ =	swait.ge [sflag:s9], $0x4000  }
0x2f: {  	[sflag:s9] =	ssyncset.done $0x0  }
0x30: {  	[sflag:s9] =	ssyncadd.s32 $0xFFFFC000  }
0x31: {  	_ =	swait.ge [sflag:s9], $0x4000  }
0x32: {  	[sflag:s9] =	ssyncset.done $0x0  }
0x33: {  	[sflag:s9] =	ssyncadd.s32 $0xFFFFC000  }
0x34: {  	[tilespmem:s11], [sflag:$0x2] =	stream.indirect.gather [hbm4b:s5+s6], $0x80, s10, s6, $0xb8;
	[tilespmem:$0x10200] =	vst v63  }
0x35: {  	_ = 	snop  }
0x36: {  	[tilespmem:s13], [sflag:$0x2] =	stream.indirect.gather [hbm4b:s5+s6], $0x80, s12, s6, $0xb8;
	[tilespmem:$0x10200] =	vst v63  }
0x37: {  	_ = 	snop  }
0x38: {  	[hbm4b:s14+s2] =	stream.linear.scatter [tilespmem:s7], [sflag:$0x3], $0x8000, $0x38;
	[tilespmem:$0x10200] =	vst v63  }
0x39: {  	_ =	swait.ge [sflag:s15], $0x4000  }
0x3a: {  	[sflag:s15] =	ssyncset.done $0x0  }
0x3b: {  	[sflag:s15] =	ssyncadd.s32 $0xFFFFC000  }
0x3c: {  	_ =	swait.ge [sflag:s15], $0x4000  }
0x3d: {  	[sflag:s15] =	ssyncset.done $0x0  }
0x3e: {  	[sflag:s15] =	ssyncadd.s32 $0xFFFFC000  }
0x3f: {  	[hbm4b:s16+s2] =	stream.linear.scatter [tilespmem:s11], [sflag:$0x3], $0x8000, $0x38;
	[tilespmem:$0x10200] =	vst v63  }
.Ltmp1:
0x40: {  	_ =	swait.ge [sflag:s3], $0x8000;
	(pc) =	sbr.rel @p0 .LBB2_1-.Ltmp1, $4  }
0x41: {  	[sflag:s3] =	ssyncset.done $0x0  }
0x42: {  	[sflag:s3] =	ssyncadd.s32 $0xFFFF8000  }
0x43: {  	_ =	swait.ge [sflag:s3], $0x8000  }
0x44: {  	[sflag:s3] =	ssyncset.done $0x0  }
.LBB2_2:
0x45: {  	[sflag:s3] =	ssyncadd.s32 $0xFFFF8000  }
0x46: {  	_ =	sfence.sel $0x180000  }
0x47: {  	[bflag:$0x0] =	sbarrier.arrive $0xFFFF  }
0x48: {  	p0 =	sne.s32 s0, $0x0;
	_ =	strace $0x9000004A  }
0x49: {  	s0 =	sadd.s32 @!p0 $0x100000, s1;
	[bflag:$0x2] =	sbarrier.arrive $0xFFFF  }
0x4a: {  	[sflag:s0] =	ssyncadd.tile.s32 @!p0 $0x1;
	_ =	shalt  }
.Lfunc_end2:
_tile_overlayer_lowered:
.L_overlay_start_2:
0x4b: {  	(tag) =	ssettag $0x2  }
0x4c: {  	s0 =	rddreg [dreg:$0x0];
	s2 =	stileid.u32  }
0x4d: {  	s1 =	rddreg [dreg:$0x1];
	p0 =	sne.s32 s2, $0x0  }
0x4e: {  	s3 =	rddreg [dreg:$0x2];
	[bflag:$0x3] =	sbarrier.arrive $0xFFFF;
	s2 =	simm.s32 @!p0 $0x1C04  }
0x4f: {  	[timem:s3], [sflag:s2] =	dma.local @!p0 [hbm:s0], s1  }
0x50: {  	s0 =	simm.s32 @!p0 $0x4  }
0x51: {  	_ =	swait.ge @!p0 [sflag:s0], s1  }
0x52: {  	s1 =	ssub.s32 @!p0 $0x0, s1;
	[sflag:s0] =	ssyncset.done @!p0 $0x0  }
0x53: {  	[sflag:s0] =	ssyncadd.s32 @!p0 s1  }
0x54: {  	[bflag:$0x3] =	sbarrier.arrive $0xFFFF  }
0x55: {  	_ =	shalt  }

// kernel: kernel.7.cloned.1.call-start
scs
__scs_entry_jumppad:
0x0: {  	(pc) =	sbr.rel $0x88, $3  }
0x1: {  	(tag) =	ssettag $0x0;
	lr =	simm.s32 $0x1  }
0x2: {  	[smem:$0x3F9C] =	sst lr;
	_ =	strace $0xD0000000  }
0x3: {  	_ = 	snop  }
0x4: {  	_ = 	snop  }
0x5: {  	_ = 	snop  }
0x6: {  	_ = 	snop  }
0x7: {  	_ = 	snop  }
__scs_overlays_trampoline_lowered:
0x8: {  	[smem:$0x3FAB] =	sst s0  }
0x9: {  	[smem:$0x3FAC] =	sst s1  }
0xa: {  	[smem:$0x3FAD] =	sst s2  }
0xb: {  	[smem:$0x3FAE] =	sst s3  }
0xc: {  	[smem:$0x3FAF] =	sst s4  }
0xd: {  	[smem:$0x3FB0] =	sst s5  }
0xe: {  	[smem:$0x3FB1] =	sst s6  }
0xf: {  	[smem:$0x3FB2] =	sst s7  }
0x10: {  	[smem:$0x3FB3] =	sst s8  }
0x11: {  	[smem:$0x3FB4] =	sst s9;
	s0 =	simm.s32 @!p0 $0x0  }
0x12: {  	s1 =	sld [smem:$0x3F9A];
	s0 =	simm.s32 @p0 $0x1  }
0x13: {  	[smem:$0x3FB5] =	sst s0;
	s0 =	simm.s32 @!p1 $0x0  }
0x14: {  	s2 =	sld [smem:$0x3F99];
	s0 =	simm.s32 @p1 $0x1  }
0x15: {  	[smem:$0x3FB6] =	sst s0;
	s0 =	simm.s32 @!p2 $0x0  }
0x16: {  	s3 =	sld [smem:$0x3FDB];
	s0 =	simm.s32 @p2 $0x1  }
0x17: {  	s4 =	simm.s32 $0x1BF5;
	[smem:$0x3FB8] =	sst s0  }
0x18: {  	s0 =	sld [smem:$0x3F9B];
	_ =	swait.ge [sflag:s4], $0x0  }
0x19: {  	s7 =	sld [smem:$0x3F9C]  }
0x1a: {  	s8 =	sadd.s32 $0xFFFFE003, lr  }
0x1b: {  	s9 =	sadd.s32 $0xFFFFFEF7, lr;
	s5 =	simm.s32 $0xFFFFFFFF;
	p2 =	slt.u32 s8, $0xFFFFF086  }
0x1c: {  	p1 =	slt.u32 s9, $0xF7A;
	s5 =	simm.s32 @!p2 $0x0  }
0x1d: {  	s5 =	simm.s32 @p1 $0x1;
	p0 =	seq.s32 s7, s2  }
0x1e: {  	s7 =	smul.u32 @!p0 $0xF7A, s2;
	p2 =	seq.s32 @!p0 s5, $0x0  }
0x1f: {  	s9 =	smul.u32 $0xF7A, s1;
	s8 =	simm.s32 @!p0 $0x1BF5;
	p2 =	por !p2, p0  }
0x20: {  	[sflag:s8] =	ssyncset.s32 @!p0 $0xFFFFF086;
	s6 =	sadd.s32 @!p0 s3, s7;
	s7 =	simm.s32 @!p0 $0x108  }
0x21: {  	s3 =	sadd.s32 s3, s9;
	s6 =	sadd.s32 @!p0 $0x88, s6;
	s7 =	simm.s32 @p2 $0x1082  }
0x22: {  	[simem:s7], [sflag:s8] =	dma.local @!p0 [hbm:s6], $0xF7A  }
0x23: {  	s9 =	sor.u32 $0xD0000000, s2;
	s6 =	simm.s32 $0x108;
	_ =	swait.ge @!p0 [sflag:s8], $0x0  }
0x24: {  	s3 =	sadd.s32 $0x88, s3;
	s6 =	simm.s32 @!p1 $0x1082;
	[sflag:s4] =	ssyncset.s32 $0xFFFFF086  }
0x25: {  	[simem:s6], [sflag:s4] =	dma.local [hbm:s3], $0xF7A  }
0x26: {  	[smem:$0x3F9C] =	sst s1;
	(tag) =	ssettag s2;
	_ =	strace s9  }
0x27: {  	s1 =	sld [smem:$0x3FAC]  }
0x28: {  	s2 =	sld [smem:$0x3FAD]  }
0x29: {  	s4 =	sld [smem:$0x3FAF]  }
0x2a: {  	p0 =	seq.s32 s5, $0x0;
	s5 =	sld [smem:$0x3FB0]  }
0x2b: {  	s6 =	sld [smem:$0x3FB1]  }
0x2c: {  	s7 =	sld [smem:$0x3FB2]  }
0x2d: {  	s3 =	simm.s32 $0x108;
	s8 =	sld [smem:$0x3FB3]  }
0x2e: {  	s3 =	simm.s32 @!p0 $0x1082;
	s9 =	sld [smem:$0x3FB4]  }
0x2f: {  	lr =	sadd.s32 s0, s3;
	s0 =	sld [smem:$0x3FAB]  }
0x30: {  	s3 =	sld [smem:$0x3FAE]  }
0x31: {  	[smem:$0x3FB7] =	sst s10  }
0x32: {  	s10 =	sld [smem:$0x3FB5];
	_ =	sdelay $0x3  }
0x33: {  	p0 =	seq.s32 s10, $0x1;
	s10 =	sld [smem:$0x3FB7];
	_ =	sdelay $0x3  }
0x34: {  	[smem:$0x3FB7] =	sst s10  }
0x35: {  	s10 =	sld [smem:$0x3FB6];
	_ =	sdelay $0x3  }
0x36: {  	p1 =	seq.s32 s10, $0x1;
	s10 =	sld [smem:$0x3FB7];
	_ =	sdelay $0x3  }
0x37: {  	[smem:$0x3FB7] =	sst s10  }
0x38: {  	s10 =	sld [smem:$0x3FB8]  }
0x39: {  	_ = 	snop;
	(pc) =	sbr.ind lr, $3  }
0x3a: {  	_ = 	snop  }
0x3b: {  	_ = 	snop  }
0x3c: {  	p2 =	seq.s32 s10, $0x1;
	s10 =	sld [smem:$0x3FB7]  }
0x3d: {  	_ =	shalt  }
0x3e: {  	_ =	shalt  }
0x3f: {  	_ =	shalt  }
0x40: {  	_ =	shalt  }
0x41: {  	_ =	shalt  }
0x42: {  	_ =	shalt  }
0x43: {  	_ =	shalt  }
0x44: {  	_ =	shalt  }
0x45: {  	_ =	shalt  }
0x46: {  	_ =	shalt  }
0x47: {  	_ =	shalt  }
0x48: {  	_ =	shalt  }
0x49: {  	_ =	shalt  }
0x4a: {  	_ =	shalt  }
0x4b: {  	_ =	shalt  }
0x4c: {  	_ =	shalt  }
0x4d: {  	_ =	shalt  }
0x4e: {  	_ =	shalt  }
0x4f: {  	_ =	shalt  }
0x50: {  	_ =	shalt  }
0x51: {  	_ =	shalt  }
0x52: {  	_ =	shalt  }
0x53: {  	_ =	shalt  }
0x54: {  	_ =	shalt  }
0x55: {  	_ =	shalt  }
0x56: {  	_ =	shalt  }
0x57: {  	_ =	shalt  }
0x58: {  	_ =	shalt  }
0x59: {  	_ =	shalt  }
0x5a: {  	_ =	shalt  }
0x5b: {  	_ =	shalt  }
0x5c: {  	_ =	shalt  }
0x5d: {  	_ =	shalt  }
0x5e: {  	_ =	shalt  }
0x5f: {  	_ =	shalt  }
0x60: {  	_ =	shalt  }
0x61: {  	_ =	shalt  }
0x62: {  	_ =	shalt  }
0x63: {  	_ =	shalt  }
0x64: {  	_ =	shalt  }
0x65: {  	_ =	shalt  }
0x66: {  	_ =	shalt  }
0x67: {  	_ =	shalt  }
0x68: {  	_ =	shalt  }
0x69: {  	_ =	shalt  }
0x6a: {  	_ =	shalt  }
0x6b: {  	_ =	shalt  }
0x6c: {  	_ =	shalt  }
0x6d: {  	_ =	shalt  }
0x6e: {  	_ =	shalt  }
0x6f: {  	_ =	shalt  }
0x70: {  	_ =	shalt  }
0x71: {  	_ =	shalt  }
0x72: {  	_ =	shalt  }
0x73: {  	_ =	shalt  }
0x74: {  	_ =	shalt  }
0x75: {  	_ =	shalt  }
0x76: {  	_ =	shalt  }
0x77: {  	_ =	shalt  }
0x78: {  	_ =	shalt  }
0x79: {  	_ =	shalt  }
0x7a: {  	_ =	shalt  }
0x7b: {  	_ =	shalt  }
0x7c: {  	_ =	shalt  }
0x7d: {  	_ =	shalt  }
0x7e: {  	_ =	shalt  }
0x7f: {  	_ =	shalt  }
0x80: {  	_ =	shalt  }
0x81: {  	_ =	shalt  }
0x82: {  	_ =	shalt  }
0x83: {  	_ =	shalt  }
0x84: {  	_ =	shalt  }
0x85: {  	_ =	shalt  }
0x86: {  	_ =	shalt  }
0x87: {  	_ =	shalt  }
.Lfunc_end0:
.L_simem_size_0:
called_computation_lowered:
.L_overlay_start_0:
0x88: {  	s2 =	sld [smem:$0x3FD9]  }
0x89: {  	s3 =	sld [smem:$0x3FFE];
	_ =	sdelay $0x1  }
0x8a: {  	s1 =	srdreg.scid  }
0x8b: {  	s0 =	sand.u32 $0x1, s1  }
0x8c: {  	s16 =	sshll.u32 s0, $0xA;
	s2 =	sadd.s32 s3, s2  }
0x8d: {  	s2 =	sadd.s32 s2, s16  }
0x8e: {  	[smem:$0x3FC3] =	sst s2  }
0x8f: {  	_ = 	snop  }
0x90: {  	(tm) =	ssettm $0x1  }
0x91: {  	s17 =	sld [smem:$0x3FFB];
	_ =	sdelay $0x3  }
0x92: {  	_ =	strace s17  }
0x93: {  	s2 =	sld [smem:$0x3FFC];
	_ =	sdelay $0x3  }
0x94: {  	_ =	strace s2  }
0x95: {  	s2 =	sld [smem:$0x3FFD];
	_ =	sdelay $0x3  }
0x96: {  	_ =	strace s2  }
0x97: {  	_ =	strace $0x8FFFFFFF  }
0x98: {  	s18 =	sld [smem:$0x3FDB];
	_ =	sdelay $0x1  }
0x99: {  	s19 =	simm.s32 $_scs_section_size  }
0x9a: {  	s4 =	simm.s32 $_size__tile_overlayer_lowered;
	s5 =	simm.s32 $_tile_overlayer_lowered  }
0x9b: {  	s22 =	simm.s32 $0x1BFF;
	s21 =	sshll.u32 s5, $0x1;
	s2 =	sadd.s32 s19, s18  }
0x9c: {  	s6 =	simm.s32 $0x0;
	s20 =	sshll.u32 s4, $0x1;
	s4 =	sadd.s32 s21, s2  }
0x9d: {  	[timem:s6], [sflag:s22] =	dma.local [hbm:s4], s20  }
0x9e: {  	_ =	swait.ge [sflag:s22], s20  }
0x9f: {  	s3 =	ssub.s32 $0x0, s20;
	[sflag:s22] =	ssyncset.done $0x0  }
0xa0: {  	[sflag:s22] =	ssyncadd.s32 s3;
	_ =	sdelay $0x1  }
0xa1: {  	s23 =	simm.s32 $0x1B8B  }
0xa2: {  	_ =	swait.ge [sflag:s23], $0x1  }
0xa3: {  	[sflag:s23] =	ssyncset.done $0x0  }
0xa4: {  	s25 =	simm.s32 $0x1B8E;
	s24 =	sld [smem:$0x3FFE];
	[sflag:s23] =	ssyncadd.s32 $0xFFFFFFFF  }
0xa5: {  	s26 =	simm.s32 $execute0_lowered;
	[smem:$0x3FD2] =	sst s25  }
0xa6: {  	s4 =	sshll.u32 s26, $0x1;
	_ =	strace $0x80000046;
	[dreg:$0x1] =	wrdreg $0xFFFFFFFF  }
0xa7: {  	s28 =	simm.s32 $_size_execute0_lowered;
	s2 =	sadd.s32 s2, s4;
	[dreg:$0x0] =	wrdreg $0x0  }
0xa8: {  	s4 =	sshll.u32 s28, $0x1;
	[dreg:$0x2] =	wrdreg s2  }
0xa9: {  	[dreg:$0x3] =	wrdreg s4  }
0xaa: {  	[dreg:$0x4] =	wrdreg $0xC0  }
0xab: {  	_ =	task [dreg:s6], $0x5FFFF  }
0xac: {  	[dreg:$0x1] =	wrdreg $0xFFFFFFFF  }
0xad: {  	[dreg:$0x0] =	wrdreg $0x60  }
0xae: {  	[dreg:$0x2] =	wrdreg s24  }
0xaf: {  	[dreg:$0x3] =	wrdreg $0x9  }
0xb0: {  	_ =	task.clear_ibuf [dreg:s6], $0x4FFFF;
	_ =	strace $0x90000046  }
0xb1: {  	s29 =	simm.s32 $0x9;
	_ =	strace $0x80000048  }
0xb2: {  	_ =	swait.ge [sflag:s29], $0x1  }
0xb3: {  	[sflag:s29] =	ssyncadd.s32 $0xFFFFFFFF  }
0xb4: {  	_ =	strace $0x90000048  }
0xb5: {  	_ =	sfence  }
0xb6: {  	s30 =	sld [smem:$0x0];
	_ =	sdelay $0x2  }
0xb7: {  	s31 =	sshll.u32 s1, $0xD;
	s1 =	sshrl.u32 s1, $0x2  }
0xb8: {  	s3 =	sand.u32 $0x4000, s31;
	s1 =	sadd.s32 s1, s30  }
0xb9: {  	s0 =	sor.u32 s3, s0;
	s1 =	sshll.u32 s1, $0x11  }
0xba: {  	s0 =	sor.u32 s1, s0  }
0xbb: {  	s0 =	sadd.s32 $0x8F2B, s0  }
0xbc: {  	[sflag:s0] =	ssyncadd.remote.s32 $0x1  }
0xbd: {  	_ =	sfence.sel $0xFFFF  }
0xbe: {  	[dreg:$0x0] =	wrdreg $0xFFFFFFFF;
	(pc) =	sbr.abs _section_cstart, $3  }
0xbf: {  	[dreg:$0x1] =	wrdreg $0xFFFFFFFF  }
0xc0: {  	_ =	task.clear_ibuf [dreg:s6], $0x2FFFF;
	_ =	strace $0x9FFFFFFF  }
0xc1: {  	(tm) =	ssettm $0x7FFFFFFF  }
tec
execute0_lowered:
.L_overlay_start_1:
0x0: {  	(tag) =	ssettag $0x1  }
0x1: {  	s0 =	rddreg [dreg:$0x0]  }
0x2: {  	s1 =	srdreg.scid;
	s17 =	rddreg [dreg:$0x1]  }
0x3: {  	s3 =	stileid.u32;
	s2 =	simm.s32 $0x0;
	s14 =	simm.s32 $0x600  }
0x4: {  	s16 =	simm.s32 $0x4800;
	s13 =	simm.s32 $0x1;
	s31 =	simm.s32 $0x180  }
0x5: {  	s12 =	simm.s32 $0xC800;
	s30 =	simm.s32 $0x280;
	s29 =	simm.s32 $0x300  }
0x6: {  	s28 =	simm.s32 $0x380;
	p0 =	por $0x0, $0x0;
	s18 =	simm.s32 $0x700  }
0x7: {  	s1 =	sand.u32 $0x1, s1;
	s3 =	sshll.u32 s3, $0xA;
	[smem:$0x7FF] =	sst s2  }
0x8: {  	s6 =	sadd.s32 $0x107A00, s0;
	s7 =	sadd.s32 $0xC7A00, s0;
	s4 =	sshll.u32 s1, $0x9  }
0x9: {  	s8 =	sadd.s32 $0x147A00, s0;
	s1 =	ssub.s32 $0x2, s1;
	s4 =	sor.u32 s4, s3  }
0xa: {  	_ =	strace $0x80000047;
	s10 =	sshrl.u32 s1, $0x1;
	s3 =	sshrl.u32 s4, $0x3  }
0xb: {  	s4 =	sshll.u32 s4, $0x4;
	s1 =	ssub.s32 s1, s10;
	s10 =	simm.s32 $0x2  }
0xc: {  	s5 =	sadd.s32 s3, s0;
	s3 =	sadd.s32 $0x1200, s0;
	s0 =	sadd.s32 $0x187A00, s0  }
0xd: {  	s22 =	sadd.s32 s7, s4;
	s23 =	sor.u32 $0x1000, s4;
	s25 =	sadd.s32 s6, s4  }
0xe: {  	s15 =	sadd.s32 s8, s4;
	s26 =	smax.u32 s1, $0x1;
	s9 =	sadd.s32 $0xC6200, s5  }
0xf: {  	s20 =	sadd.s32 $0xC6A00, s5;
	s21 =	sadd.s32 $0xC5A00, s5;
	[dreg:$0x6] =	wrdreg s22  }
0x10: {  	s5 =	sadd.s32 $0xC5200, s5;
	s24 =	sadd.s32 s7, s23;
	[dreg:$0x8] =	wrdreg s25  }
0x11: {  	s19 =	sadd.s32 s6, s23;
	s11 =	sadd.s32 s8, s23;
	[dreg:$0x2] =	wrdreg s9  }
0x12: {  	s6 =	sadd.s32 s0, s4;
	s25 =	simm.s32 $0x200;
	[dreg:$0x3] =	wrdreg s20  }
0x13: {  	s4 =	simm.s32 $0x3;
	p1 =	sne.s32 s26, $0x1;
	[dreg:$0x4] =	wrdreg s21  }
.Ltmp0:
0x14: {  	s8 =	simm.s32 $0x80;
	[dreg:$0x5] =	wrdreg s5;
	(pc) =	sbr.rel @!p1 .LBB2_1-.Ltmp0, $4  }
0x15: {  	s7 =	simm.s32 $0x8800;
	s22 =	simm.s32 $0x680;
	[dreg:$0x7] =	wrdreg s24  }
0x16: {  	s5 =	sadd.s32 s0, s23;
	s21 =	simm.s32 $0x400;
	s9 =	simm.s32 $0x800  }
0x17: {  	s0 =	sadd.s32 $0xFFFFFFFF, s26;
	s26 =	simm.s32 $0x480;
	s23 =	simm.s32 $0x500  }
0x18: {  	s24 =	simm.s32 $0x580;
	s20 =	simm.s32 $0x780;
	s1 =	rddreg [dreg:$0x2]  }
0x19: {  	[tilespmem:s2], [sflag:$0x3] =	stream.linear.gather [hbm4b:s1+s2], $0x200, $0x38;
	[tilespmem:$0x10800] =	vst v63  }
0x1a: {  	s17 =	smov.u32 s0;
	s0 =	rddreg [dreg:$0x3]  }
0x1b: {  	[tilespmem:s25], [sflag:$0x3] =	stream.linear.gather [hbm4b:s0+s2], $0x200, $0x38;
	[tilespmem:$0x10800] =	vst v63  }
0x1c: {  	s1 =	rddreg [dreg:$0x4]  }
0x1d: {  	[tilespmem:s21], [sflag:$0x3] =	stream.linear.gather [hbm4b:s1+s2], $0x200, $0x38;
	[tilespmem:$0x10800] =	vst v63  }
0x1e: {  	s0 =	rddreg [dreg:$0x5]  }
0x1f: {  	[tilespmem:s14], [sflag:$0x3] =	stream.linear.gather [hbm4b:s0+s2], $0x200, $0x38;
	[tilespmem:$0x10800] =	vst v63  }
0x20: {  	_ =	swait.ge [sflag:s4], $0x200  }
0x21: {  	[sflag:s4] =	ssyncset.done $0x0  }
0x22: {  	[sflag:s4] =	ssyncadd.s32 $0xFFFFFE00  }
0x23: {  	_ =	swait.ge [sflag:s4], $0x200  }
0x24: {  	[sflag:s4] =	ssyncset.done $0x0  }
0x25: {  	[sflag:s4] =	ssyncadd.s32 $0xFFFFFE00  }
0x26: {  	_ =	swait.ge [sflag:s4], $0x200  }
0x27: {  	[sflag:s4] =	ssyncset.done $0x0  }
0x28: {  	[sflag:s4] =	ssyncadd.s32 $0xFFFFFE00  }
0x29: {  	_ =	swait.ge [sflag:s4], $0x200  }
0x2a: {  	[sflag:s4] =	ssyncset.done $0x0  }
0x2b: {  	[sflag:s4] =	ssyncadd.s32 $0xFFFFFE00  }
0x2c: {  	[tilespmem:s9], [sflag:$0x1] =	stream.indirect.gather [hbm4b:s3+s8], $0x80, s2, s8, $0xb8;
	[tilespmem:$0x10800] =	vst v63  }
0x2d: {  	_ = 	snop  }
0x2e: {  	[tilespmem:s16], [sflag:$0x1] =	stream.indirect.gather [hbm4b:s3+s8], $0x80, s8, s8, $0xb8;
	[tilespmem:$0x10800] =	vst v63  }
0x2f: {  	_ =	swait.ge [sflag:s13], $0x4000  }
0x30: {  	[sflag:s13] =	ssyncset.done $0x0  }
0x31: {  	[sflag:s13] =	ssyncadd.s32 $0xFFFFC000  }
0x32: {  	_ =	swait.ge [sflag:s13], $0x4000  }
0x33: {  	[sflag:s13] =	ssyncset.done $0x0  }
0x34: {  	s1 =	simm.s32 $0x100;
	[sflag:s13] =	ssyncadd.s32 $0xFFFFC000  }
0x35: {  	[tilespmem:s7], [sflag:$0x2] =	stream.indirect.gather [hbm4b:s3+s8], $0x80, s1, s8, $0xb8;
	[tilespmem:$0x10800] =	vst v63  }
0x36: {  	_ = 	snop  }
0x37: {  	[tilespmem:s12], [sflag:$0x2] =	stream.indirect.gather [hbm4b:s3+s8], $0x80, s31, s8, $0xb8;
	[tilespmem:$0x10800] =	vst v63  }
0x38: {  	s1 =	rddreg [dreg:$0x6]  }
0x39: {  	[hbm4b:s1+s2] =	stream.linear.scatter [tilespmem:s9], [sflag:$0x3], $0x8000, $0x38;
	[tilespmem:$0x10800] =	vst v63  }
0x3a: {  	_ =	swait.ge [sflag:s10], $0x4000  }
0x3b: {  	[sflag:s10] =	ssyncset.done $0x0  }
0x3c: {  	[sflag:s10] =	ssyncadd.s32 $0xFFFFC000  }
0x3d: {  	_ =	swait.ge [sflag:s10], $0x4000  }
0x3e: {  	[sflag:s10] =	ssyncset.done $0x0  }
0x3f: {  	[sflag:s10] =	ssyncadd.s32 $0xFFFFC000  }
0x40: {  	_ =	swait.ge [sflag:s4], $0x8000  }
0x41: {  	[sflag:s4] =	ssyncset.done $0x0  }
0x42: {  	[sflag:s4] =	ssyncadd.s32 $0xFFFF8000  }
0x43: {  	[tilespmem:s9], [sflag:$0x1] =	stream.indirect.gather [hbm4b:s3+s8], $0x80, s25, s8, $0xb8;
	[tilespmem:$0x10800] =	vst v63  }
0x44: {  	_ = 	snop  }
0x45: {  	[tilespmem:s16], [sflag:$0x1] =	stream.indirect.gather [hbm4b:s3+s8], $0x80, s30, s8, $0xb8;
	[tilespmem:$0x10800] =	vst v63  }
0x46: {  	s1 =	rddreg [dreg:$0x7]  }
0x47: {  	[hbm4b:s1+s2] =	stream.linear.scatter [tilespmem:s7], [sflag:$0x3], $0x8000, $0x38;
	[tilespmem:$0x10800] =	vst v63  }
0x48: {  	_ =	swait.ge [sflag:s13], $0x4000  }
0x49: {  	[sflag:s13] =	ssyncset.done $0x0  }
0x4a: {  	[sflag:s13] =	ssyncadd.s32 $0xFFFFC000  }
0x4b: {  	_ =	swait.ge [sflag:s13], $0x4000  }
0x4c: {  	[sflag:s13] =	ssyncset.done $0x0  }
0x4d: {  	[sflag:s13] =	ssyncadd.s32 $0xFFFFC000  }
0x4e: {  	_ =	swait.ge [sflag:s4], $0x8000  }
0x4f: {  	[sflag:s4] =	ssyncset.done $0x0  }
0x50: {  	[sflag:s4] =	ssyncadd.s32 $0xFFFF8000  }
0x51: {  	[tilespmem:s7], [sflag:$0x2] =	stream.indirect.gather [hbm4b:s3+s8], $0x80, s29, s8, $0xb8;
	[tilespmem:$0x10800] =	vst v63  }
0x52: {  	_ = 	snop  }
0x53: {  	[tilespmem:s12], [sflag:$0x2] =	stream.indirect.gather [hbm4b:s3+s8], $0x80, s28, s8, $0xb8;
	[tilespmem:$0x10800] =	vst v63  }
0x54: {  	s1 =	rddreg [dreg:$0x8]  }
0x55: {  	[hbm4b:s1+s2] =	stream.linear.scatter [tilespmem:s9], [sflag:$0x3], $0x8000, $0x38;
	[tilespmem:$0x10800] =	vst v63  }
0x56: {  	_ =	swait.ge [sflag:s10], $0x4000  }
0x57: {  	[sflag:s10] =	ssyncset.done $0x0  }
0x58: {  	[sflag:s10] =	ssyncadd.s32 $0xFFFFC000  }
0x59: {  	_ =	swait.ge [sflag:s10], $0x4000  }
0x5a: {  	[sflag:s10] =	ssyncset.done $0x0  }
0x5b: {  	[sflag:s10] =	ssyncadd.s32 $0xFFFFC000  }
0x5c: {  	_ =	swait.ge [sflag:s4], $0x8000  }
0x5d: {  	[sflag:s4] =	ssyncset.done $0x0  }
0x5e: {  	[sflag:s4] =	ssyncadd.s32 $0xFFFF8000  }
0x5f: {  	[tilespmem:s9], [sflag:$0x1] =	stream.indirect.gather [hbm4b:s3+s8], $0x80, s21, s8, $0xb8;
	[tilespmem:$0x10800] =	vst v63  }
0x60: {  	_ = 	snop  }
0x61: {  	[tilespmem:s16], [sflag:$0x1] =	stream.indirect.gather [hbm4b:s3+s8], $0x80, s26, s8, $0xb8;
	[tilespmem:$0x10800] =	vst v63  }
0x62: {  	_ = 	snop  }
0x63: {  	[hbm4b:s19+s2] =	stream.linear.scatter [tilespmem:s7], [sflag:$0x3], $0x8000, $0x38;
	[tilespmem:$0x10800] =	vst v63  }
0x64: {  	_ =	swait.ge [sflag:s13], $0x4000  }
0x65: {  	[sflag:s13] =	ssyncset.done $0x0  }
0x66: {  	[sflag:s13] =	ssyncadd.s32 $0xFFFFC000  }
0x67: {  	_ =	swait.ge [sflag:s13], $0x4000  }
0x68: {  	[sflag:s13] =	ssyncset.done $0x0  }
0x69: {  	[sflag:s13] =	ssyncadd.s32 $0xFFFFC000  }
0x6a: {  	_ =	swait.ge [sflag:s4], $0x8000  }
0x6b: {  	[sflag:s4] =	ssyncset.done $0x0  }
0x6c: {  	[sflag:s4] =	ssyncadd.s32 $0xFFFF8000  }
0x6d: {  	[tilespmem:s7], [sflag:$0x2] =	stream.indirect.gather [hbm4b:s3+s8], $0x80, s23, s8, $0xb8;
	[tilespmem:$0x10800] =	vst v63  }
0x6e: {  	_ = 	snop  }
0x6f: {  	[tilespmem:s12], [sflag:$0x2] =	stream.indirect.gather [hbm4b:s3+s8], $0x80, s24, s8, $0xb8;
	[tilespmem:$0x10800] =	vst v63  }
0x70: {  	_ = 	snop  }
0x71: {  	[hbm4b:s15+s2] =	stream.linear.scatter [tilespmem:s9], [sflag:$0x3], $0x8000, $0x38;
	[tilespmem:$0x10800] =	vst v63  }
0x72: {  	_ =	swait.ge [sflag:s10], $0x4000  }
0x73: {  	[sflag:s10] =	ssyncset.done $0x0  }
0x74: {  	[sflag:s10] =	ssyncadd.s32 $0xFFFFC000  }
0x75: {  	_ =	swait.ge [sflag:s10], $0x4000  }
0x76: {  	[sflag:s10] =	ssyncset.done $0x0  }
0x77: {  	[sflag:s10] =	ssyncadd.s32 $0xFFFFC000  }
0x78: {  	_ =	swait.ge [sflag:s4], $0x8000  }
0x79: {  	[sflag:s4] =	ssyncset.done $0x0  }
0x7a: {  	[sflag:s4] =	ssyncadd.s32 $0xFFFF8000  }
0x7b: {  	[tilespmem:s9], [sflag:$0x1] =	stream.indirect.gather [hbm4b:s3+s8], $0x80, s14, s8, $0xb8;
	[tilespmem:$0x10800] =	vst v63  }
0x7c: {  	_ = 	snop  }
0x7d: {  	[tilespmem:s16], [sflag:$0x1] =	stream.indirect.gather [hbm4b:s3+s8], $0x80, s22, s8, $0xb8;
	[tilespmem:$0x10800] =	vst v63  }
0x7e: {  	_ = 	snop  }
0x7f: {  	[hbm4b:s11+s2] =	stream.linear.scatter [tilespmem:s7], [sflag:$0x3], $0x8000, $0x38;
	[tilespmem:$0x10800] =	vst v63  }
0x80: {  	_ =	swait.ge [sflag:s13], $0x4000  }
0x81: {  	[sflag:s13] =	ssyncset.done $0x0  }
0x82: {  	[sflag:s13] =	ssyncadd.s32 $0xFFFFC000  }
0x83: {  	_ =	swait.ge [sflag:s13], $0x4000  }
0x84: {  	[sflag:s13] =	ssyncset.done $0x0  }
0x85: {  	[sflag:s13] =	ssyncadd.s32 $0xFFFFC000  }
0x86: {  	_ =	swait.ge [sflag:s4], $0x8000  }
0x87: {  	[sflag:s4] =	ssyncset.done $0x0  }
0x88: {  	[sflag:s4] =	ssyncadd.s32 $0xFFFF8000  }
0x89: {  	[tilespmem:s7], [sflag:$0x2] =	stream.indirect.gather [hbm4b:s3+s8], $0x80, s18, s8, $0xb8;
	[tilespmem:$0x10800] =	vst v63  }
0x8a: {  	_ = 	snop  }
0x8b: {  	[tilespmem:s12], [sflag:$0x2] =	stream.indirect.gather [hbm4b:s3+s8], $0x80, s20, s8, $0xb8;
	[tilespmem:$0x10800] =	vst v63  }
0x8c: {  	_ = 	snop  }
0x8d: {  	[hbm4b:s6+s2] =	stream.linear.scatter [tilespmem:s9], [sflag:$0x3], $0x8000, $0x38;
	[tilespmem:$0x10800] =	vst v63  }
0x8e: {  	_ =	swait.ge [sflag:s10], $0x4000  }
0x8f: {  	[sflag:s10] =	ssyncset.done $0x0  }
0x90: {  	[sflag:s10] =	ssyncadd.s32 $0xFFFFC000  }
0x91: {  	_ =	swait.ge [sflag:s10], $0x4000  }
0x92: {  	[sflag:s10] =	ssyncset.done $0x0  }
0x93: {  	p1 =	sne.s32 s17, $0x1;
	[sflag:s10] =	ssyncadd.s32 $0xFFFFC000  }
0x94: {  	[hbm4b:s5+s2] =	stream.linear.scatter [tilespmem:s7], [sflag:$0x3], $0x8000, $0x38;
	[tilespmem:$0x10800] =	vst v63  }
.Ltmp1:
0x95: {  	_ =	swait.ge [sflag:s4], $0x8000;
	(pc) =	sbr.rel @!p1 .LBB2_3-.Ltmp1, $4  }
0x96: {  	[sflag:s4] =	ssyncset.done $0x0  }
0x97: {  	[sflag:s4] =	ssyncadd.s32 $0xFFFF8000  }
0x98: {  	p0 =	por $0x1, $0x1;
	_ =	swait.ge [sflag:s4], $0x8000  }
0x99: {  	s0 =	sadd.s32 $0xFFFFFFFF, s17;
	s1 =	rddreg [dreg:$0x2];
	[sflag:s4] =	ssyncset.done $0x0  }
.LBB2_4:
0x9a: {  	[sflag:s4] =	ssyncadd.s32 $0xFFFF8000  }
0x9b: {  	[tilespmem:s2], [sflag:$0x3] =	stream.linear.gather [hbm4b:s1+s2], $0x200, $0x38;
	[tilespmem:$0x10800] =	vst v63  }
0x9c: {  	s17 =	rddreg [dreg:$0x3]  }
0x9d: {  	[tilespmem:s25], [sflag:$0x3] =	stream.linear.gather [hbm4b:s17+s2], $0x200, $0x38;
	[tilespmem:$0x10800] =	vst v63  }
0x9e: {  	s1 =	rddreg [dreg:$0x4]  }
0x9f: {  	[tilespmem:s21], [sflag:$0x3] =	stream.linear.gather [hbm4b:s1+s2], $0x200, $0x38;
	[tilespmem:$0x10800] =	vst v63  }
0xa0: {  	s17 =	rddreg [dreg:$0x5]  }
0xa1: {  	[tilespmem:s14], [sflag:$0x3] =	stream.linear.gather [hbm4b:s17+s2], $0x200, $0x38;
	[tilespmem:$0x10800] =	vst v63  }
0xa2: {  	_ =	swait.ge [sflag:s4], $0x200  }
0xa3: {  	[sflag:s4] =	ssyncset.done $0x0  }
0xa4: {  	[sflag:s4] =	ssyncadd.s32 $0xFFFFFE00  }
0xa5: {  	_ =	swait.ge [sflag:s4], $0x200  }
0xa6: {  	[sflag:s4] =	ssyncset.done $0x0  }
0xa7: {  	[sflag:s4] =	ssyncadd.s32 $0xFFFFFE00  }
0xa8: {  	_ =	swait.ge [sflag:s4], $0x200  }
0xa9: {  	[sflag:s4] =	ssyncset.done $0x0  }
0xaa: {  	[sflag:s4] =	ssyncadd.s32 $0xFFFFFE00  }
0xab: {  	_ =	swait.ge [sflag:s4], $0x200  }
0xac: {  	[sflag:s4] =	ssyncset.done $0x0  }
0xad: {  	[sflag:s4] =	ssyncadd.s32 $0xFFFFFE00  }
0xae: {  	[tilespmem:s9], [sflag:$0x1] =	stream.indirect.gather [hbm4b:s3+s8], $0x80, s2, s8, $0xb8;
	[tilespmem:$0x10800] =	vst v63  }
0xaf: {  	_ = 	snop  }
0xb0: {  	[tilespmem:s16], [sflag:$0x1] =	stream.indirect.gather [hbm4b:s3+s8], $0x80, s8, s8, $0xb8;
	[tilespmem:$0x10800] =	vst v63  }
0xb1: {  	_ =	swait.ge [sflag:s13], $0x4000  }
0xb2: {  	[sflag:s13] =	ssyncset.done $0x0  }
0xb3: {  	[sflag:s13] =	ssyncadd.s32 $0xFFFFC000  }
0xb4: {  	_ =	swait.ge [sflag:s13], $0x4000  }
0xb5: {  	[sflag:s13] =	ssyncset.done $0x0  }
0xb6: {  	s17 =	simm.s32 $0x100;
	[sflag:s13] =	ssyncadd.s32 $0xFFFFC000  }
0xb7: {  	[tilespmem:s7], [sflag:$0x2] =	stream.indirect.gather [hbm4b:s3+s8], $0x80, s17, s8, $0xb8;
	[tilespmem:$0x10800] =	vst v63  }
0xb8: {  	_ = 	snop  }
0xb9: {  	[tilespmem:s12], [sflag:$0x2] =	stream.indirect.gather [hbm4b:s3+s8], $0x80, s31, s8, $0xb8;
	[tilespmem:$0x10800] =	vst v63  }
0xba: {  	s17 =	rddreg [dreg:$0x6]  }
0xbb: {  	[hbm4b:s17+s2] =	stream.linear.scatter [tilespmem:s9], [sflag:$0x3], $0x8000, $0x38;
	[tilespmem:$0x10800] =	vst v63  }
0xbc: {  	_ =	swait.ge [sflag:s10], $0x4000  }
0xbd: {  	[sflag:s10] =	ssyncset.done $0x0  }
0xbe: {  	[sflag:s10] =	ssyncadd.s32 $0xFFFFC000  }
0xbf: {  	_ =	swait.ge [sflag:s10], $0x4000  }
0xc0: {  	[sflag:s10] =	ssyncset.done $0x0  }
0xc1: {  	[sflag:s10] =	ssyncadd.s32 $0xFFFFC000  }
0xc2: {  	_ =	swait.ge [sflag:s4], $0x8000  }
0xc3: {  	[sflag:s4] =	ssyncset.done $0x0  }
0xc4: {  	[sflag:s4] =	ssyncadd.s32 $0xFFFF8000  }
0xc5: {  	[tilespmem:s9], [sflag:$0x1] =	stream.indirect.gather [hbm4b:s3+s8], $0x80, s25, s8, $0xb8;
	[tilespmem:$0x10800] =	vst v63  }
0xc6: {  	_ = 	snop  }
0xc7: {  	[tilespmem:s16], [sflag:$0x1] =	stream.indirect.gather [hbm4b:s3+s8], $0x80, s30, s8, $0xb8;
	[tilespmem:$0x10800] =	vst v63  }
0xc8: {  	s17 =	rddreg [dreg:$0x7]  }
0xc9: {  	[hbm4b:s17+s2] =	stream.linear.scatter [tilespmem:s7], [sflag:$0x3], $0x8000, $0x38;
	[tilespmem:$0x10800] =	vst v63  }
0xca: {  	_ =	swait.ge [sflag:s13], $0x4000  }
0xcb: {  	[sflag:s13] =	ssyncset.done $0x0  }
0xcc: {  	[sflag:s13] =	ssyncadd.s32 $0xFFFFC000  }
0xcd: {  	_ =	swait.ge [sflag:s13], $0x4000  }
0xce: {  	[sflag:s13] =	ssyncset.done $0x0  }
0xcf: {  	[sflag:s13] =	ssyncadd.s32 $0xFFFFC000  }
0xd0: {  	_ =	swait.ge [sflag:s4], $0x8000  }
0xd1: {  	[sflag:s4] =	ssyncset.done $0x0  }
0xd2: {  	[sflag:s4] =	ssyncadd.s32 $0xFFFF8000  }
0xd3: {  	[tilespmem:s7], [sflag:$0x2] =	stream.indirect.gather [hbm4b:s3+s8], $0x80, s29, s8, $0xb8;
	[tilespmem:$0x10800] =	vst v63  }
0xd4: {  	_ = 	snop  }
0xd5: {  	[tilespmem:s12], [sflag:$0x2] =	stream.indirect.gather [hbm4b:s3+s8], $0x80, s28, s8, $0xb8;
	[tilespmem:$0x10800] =	vst v63  }
0xd6: {  	s17 =	rddreg [dreg:$0x8]  }
0xd7: {  	[hbm4b:s17+s2] =	stream.linear.scatter [tilespmem:s9], [sflag:$0x3], $0x8000, $0x38;
	[tilespmem:$0x10800] =	vst v63  }
0xd8: {  	_ =	swait.ge [sflag:s10], $0x4000  }
0xd9: {  	[sflag:s10] =	ssyncset.done $0x0  }
0xda: {  	[sflag:s10] =	ssyncadd.s32 $0xFFFFC000  }
0xdb: {  	_ =	swait.ge [sflag:s10], $0x4000  }
0xdc: {  	[sflag:s10] =	ssyncset.done $0x0  }
0xdd: {  	[sflag:s10] =	ssyncadd.s32 $0xFFFFC000  }
0xde: {  	_ =	swait.ge [sflag:s4], $0x8000  }
0xdf: {  	[sflag:s4] =	ssyncset.done $0x0  }
0xe0: {  	[sflag:s4] =	ssyncadd.s32 $0xFFFF8000  }
0xe1: {  	[tilespmem:s9], [sflag:$0x1] =	stream.indirect.gather [hbm4b:s3+s8], $0x80, s21, s8, $0xb8;
	[tilespmem:$0x10800] =	vst v63  }
0xe2: {  	_ = 	snop  }
0xe3: {  	[tilespmem:s16], [sflag:$0x1] =	stream.indirect.gather [hbm4b:s3+s8], $0x80, s26, s8, $0xb8;
	[tilespmem:$0x10800] =	vst v63  }
0xe4: {  	_ = 	snop  }
0xe5: {  	[hbm4b:s19+s2] =	stream.linear.scatter [tilespmem:s7], [sflag:$0x3], $0x8000, $0x38;
	[tilespmem:$0x10800] =	vst v63  }
0xe6: {  	_ =	swait.ge [sflag:s13], $0x4000  }
0xe7: {  	[sflag:s13] =	ssyncset.done $0x0  }
0xe8: {  	[sflag:s13] =	ssyncadd.s32 $0xFFFFC000  }
0xe9: {  	_ =	swait.ge [sflag:s13], $0x4000  }
0xea: {  	[sflag:s13] =	ssyncset.done $0x0  }
0xeb: {  	[sflag:s13] =	ssyncadd.s32 $0xFFFFC000  }
0xec: {  	_ =	swait.ge [sflag:s4], $0x8000  }
0xed: {  	[sflag:s4] =	ssyncset.done $0x0  }
0xee: {  	[sflag:s4] =	ssyncadd.s32 $0xFFFF8000  }
0xef: {  	[tilespmem:s7], [sflag:$0x2] =	stream.indirect.gather [hbm4b:s3+s8], $0x80, s23, s8, $0xb8;
	[tilespmem:$0x10800] =	vst v63  }
0xf0: {  	_ = 	snop  }
0xf1: {  	[tilespmem:s12], [sflag:$0x2] =	stream.indirect.gather [hbm4b:s3+s8], $0x80, s24, s8, $0xb8;
	[tilespmem:$0x10800] =	vst v63  }
0xf2: {  	_ = 	snop  }
0xf3: {  	[hbm4b:s15+s2] =	stream.linear.scatter [tilespmem:s9], [sflag:$0x3], $0x8000, $0x38;
	[tilespmem:$0x10800] =	vst v63  }
0xf4: {  	_ =	swait.ge [sflag:s10], $0x4000  }
0xf5: {  	[sflag:s10] =	ssyncset.done $0x0  }
0xf6: {  	[sflag:s10] =	ssyncadd.s32 $0xFFFFC000  }
0xf7: {  	_ =	swait.ge [sflag:s10], $0x4000  }
0xf8: {  	[sflag:s10] =	ssyncset.done $0x0  }
0xf9: {  	[sflag:s10] =	ssyncadd.s32 $0xFFFFC000  }
0xfa: {  	_ =	swait.ge [sflag:s4], $0x8000  }
0xfb: {  	[sflag:s4] =	ssyncset.done $0x0  }
0xfc: {  	[sflag:s4] =	ssyncadd.s32 $0xFFFF8000  }
0xfd: {  	[tilespmem:s9], [sflag:$0x1] =	stream.indirect.gather [hbm4b:s3+s8], $0x80, s14, s8, $0xb8;
	[tilespmem:$0x10800] =	vst v63  }
0xfe: {  	_ = 	snop  }
0xff: {  	[tilespmem:s16], [sflag:$0x1] =	stream.indirect.gather [hbm4b:s3+s8], $0x80, s22, s8, $0xb8;
	[tilespmem:$0x10800] =	vst v63  }
0x100: {  	_ = 	snop  }
0x101: {  	[hbm4b:s11+s2] =	stream.linear.scatter [tilespmem:s7], [sflag:$0x3], $0x8000, $0x38;
	[tilespmem:$0x10800] =	vst v63  }
0x102: {  	_ =	swait.ge [sflag:s13], $0x4000  }
0x103: {  	[sflag:s13] =	ssyncset.done $0x0  }
0x104: {  	[sflag:s13] =	ssyncadd.s32 $0xFFFFC000  }
0x105: {  	_ =	swait.ge [sflag:s13], $0x4000  }
0x106: {  	[sflag:s13] =	ssyncset.done $0x0  }
0x107: {  	[sflag:s13] =	ssyncadd.s32 $0xFFFFC000  }
0x108: {  	_ =	swait.ge [sflag:s4], $0x8000  }
0x109: {  	[sflag:s4] =	ssyncset.done $0x0  }
0x10a: {  	[sflag:s4] =	ssyncadd.s32 $0xFFFF8000  }
0x10b: {  	[tilespmem:s7], [sflag:$0x2] =	stream.indirect.gather [hbm4b:s3+s8], $0x80, s18, s8, $0xb8;
	[tilespmem:$0x10800] =	vst v63  }
0x10c: {  	_ = 	snop  }
0x10d: {  	[tilespmem:s12], [sflag:$0x2] =	stream.indirect.gather [hbm4b:s3+s8], $0x80, s20, s8, $0xb8;
	[tilespmem:$0x10800] =	vst v63  }
0x10e: {  	_ = 	snop  }
0x10f: {  	[hbm4b:s6+s2] =	stream.linear.scatter [tilespmem:s9], [sflag:$0x3], $0x8000, $0x38;
	[tilespmem:$0x10800] =	vst v63  }
0x110: {  	_ =	swait.ge [sflag:s10], $0x4000  }
0x111: {  	[sflag:s10] =	ssyncset.done $0x0  }
0x112: {  	[sflag:s10] =	ssyncadd.s32 $0xFFFFC000  }
0x113: {  	_ =	swait.ge [sflag:s10], $0x4000  }
0x114: {  	[sflag:s10] =	ssyncset.done $0x0  }
0x115: {  	p1 =	sne.s32 s0, $0x1;
	[sflag:s10] =	ssyncadd.s32 $0xFFFFC000  }
0x116: {  	[hbm4b:s5+s2] =	stream.linear.scatter [tilespmem:s7], [sflag:$0x3], $0x8000, $0x38;
	[tilespmem:$0x10800] =	vst v63  }
.Ltmp2:
0x117: {  	_ =	swait.ge [sflag:s4], $0x8000;
	(pc) =	sbr.rel @p1 .LBB2_4-.Ltmp2, $4  }
0x118: {  	[sflag:s4] =	ssyncset.done $0x0  }
0x119: {  	[sflag:s4] =	ssyncadd.s32 $0xFFFF8000  }
0x11a: {  	_ =	swait.ge [sflag:s4], $0x8000  }
0x11b: {  	s0 =	sadd.s32 $0xFFFFFFFF, s0;
	s1 =	rddreg [dreg:$0x2];
	[sflag:s4] =	ssyncset.done $0x0  }
0x11c: {  	s20 =	simm.s32 $0x180;
	s31 =	simm.s32 $0x100  }
0x11d: {  	s30 =	simm.s32 $0x280;
	s29 =	simm.s32 $0x300;
	s28 =	simm.s32 $0x380  }
0x11e: {  	s26 =	simm.s32 $0x480;
	s24 =	simm.s32 $0x580;
	s23 =	simm.s32 $0x500  }
0x11f: {  	s22 =	simm.s32 $0x680;
	s18 =	simm.s32 $0x700;
	s17 =	rddreg [dreg:$0x1]  }
.LBB2_6:
0x120: {  	[sflag:s4] =	ssyncadd.s32 @p0 $0xFFFF8000  }
0x121: {  	[tilespmem:s2], [sflag:$0x3] =	stream.linear.gather [hbm4b:s1+s2], $0x200, $0x38;
	[tilespmem:$0x10800] =	vst v63  }
0x122: {  	s0 =	rddreg [dreg:$0x3]  }
0x123: {  	[tilespmem:s25], [sflag:$0x3] =	stream.linear.gather [hbm4b:s0+s2], $0x200, $0x38;
	[tilespmem:$0x10800] =	vst v63  }
0x124: {  	s1 =	rddreg [dreg:$0x4]  }
0x125: {  	[tilespmem:s21], [sflag:$0x3] =	stream.linear.gather [hbm4b:s1+s2], $0x200, $0x38;
	[tilespmem:$0x10800] =	vst v63  }
0x126: {  	s0 =	rddreg [dreg:$0x5]  }
0x127: {  	[tilespmem:s14], [sflag:$0x3] =	stream.linear.gather [hbm4b:s0+s2], $0x200, $0x38;
	[tilespmem:$0x10800] =	vst v63  }
0x128: {  	_ =	swait.ge [sflag:s4], $0x200  }
0x129: {  	[sflag:s4] =	ssyncset.done $0x0  }
0x12a: {  	[sflag:s4] =	ssyncadd.s32 $0xFFFFFE00  }
0x12b: {  	_ =	swait.ge [sflag:s4], $0x200  }
0x12c: {  	[sflag:s4] =	ssyncset.done $0x0  }
0x12d: {  	[sflag:s4] =	ssyncadd.s32 $0xFFFFFE00  }
0x12e: {  	_ =	swait.ge [sflag:s4], $0x200  }
0x12f: {  	[sflag:s4] =	ssyncset.done $0x0  }
0x130: {  	[sflag:s4] =	ssyncadd.s32 $0xFFFFFE00  }
0x131: {  	_ =	swait.ge [sflag:s4], $0x200  }
0x132: {  	[sflag:s4] =	ssyncset.done $0x0  }
0x133: {  	[sflag:s4] =	ssyncadd.s32 $0xFFFFFE00  }
0x134: {  	[tilespmem:s9], [sflag:$0x1] =	stream.indirect.gather [hbm4b:s3+s8], $0x80, s2, s8, $0xb8;
	[tilespmem:$0x10800] =	vst v63  }
0x135: {  	_ = 	snop  }
0x136: {  	[tilespmem:s16], [sflag:$0x1] =	stream.indirect.gather [hbm4b:s3+s8], $0x80, s8, s8, $0xb8;
	[tilespmem:$0x10800] =	vst v63  }
0x137: {  	_ =	swait.ge [sflag:s13], $0x4000  }
0x138: {  	[sflag:s13] =	ssyncset.done $0x0  }
0x139: {  	[sflag:s13] =	ssyncadd.s32 $0xFFFFC000  }
0x13a: {  	_ =	swait.ge [sflag:s13], $0x4000  }
0x13b: {  	[sflag:s13] =	ssyncset.done $0x0  }
0x13c: {  	[sflag:s13] =	ssyncadd.s32 $0xFFFFC000  }
0x13d: {  	[tilespmem:s7], [sflag:$0x2] =	stream.indirect.gather [hbm4b:s3+s8], $0x80, s31, s8, $0xb8;
	[tilespmem:$0x10800] =	vst v63  }
0x13e: {  	_ = 	snop  }
0x13f: {  	[tilespmem:s12], [sflag:$0x2] =	stream.indirect.gather [hbm4b:s3+s8], $0x80, s20, s8, $0xb8;
	[tilespmem:$0x10800] =	vst v63  }
0x140: {  	s1 =	rddreg [dreg:$0x6]  }
0x141: {  	[hbm4b:s1+s2] =	stream.linear.scatter [tilespmem:s9], [sflag:$0x3], $0x8000, $0x38;
	[tilespmem:$0x10800] =	vst v63  }
0x142: {  	_ =	swait.ge [sflag:s10], $0x4000  }
0x143: {  	[sflag:s10] =	ssyncset.done $0x0  }
0x144: {  	[sflag:s10] =	ssyncadd.s32 $0xFFFFC000  }
0x145: {  	_ =	swait.ge [sflag:s10], $0x4000  }
0x146: {  	[sflag:s10] =	ssyncset.done $0x0  }
0x147: {  	[sflag:s10] =	ssyncadd.s32 $0xFFFFC000  }
0x148: {  	_ =	swait.ge [sflag:s4], $0x8000  }
0x149: {  	[sflag:s4] =	ssyncset.done $0x0  }
0x14a: {  	[sflag:s4] =	ssyncadd.s32 $0xFFFF8000  }
0x14b: {  	[tilespmem:s9], [sflag:$0x1] =	stream.indirect.gather [hbm4b:s3+s8], $0x80, s25, s8, $0xb8;
	[tilespmem:$0x10800] =	vst v63  }
0x14c: {  	_ = 	snop  }
0x14d: {  	[tilespmem:s16], [sflag:$0x1] =	stream.indirect.gather [hbm4b:s3+s8], $0x80, s30, s8, $0xb8;
	[tilespmem:$0x10800] =	vst v63  }
0x14e: {  	s25 =	rddreg [dreg:$0x7]  }
0x14f: {  	[hbm4b:s25+s2] =	stream.linear.scatter [tilespmem:s7], [sflag:$0x3], $0x8000, $0x38;
	[tilespmem:$0x10800] =	vst v63  }
0x150: {  	_ =	swait.ge [sflag:s13], $0x4000  }
0x151: {  	[sflag:s13] =	ssyncset.done $0x0  }
0x152: {  	[sflag:s13] =	ssyncadd.s32 $0xFFFFC000  }
0x153: {  	_ =	swait.ge [sflag:s13], $0x4000  }
0x154: {  	[sflag:s13] =	ssyncset.done $0x0  }
0x155: {  	[sflag:s13] =	ssyncadd.s32 $0xFFFFC000  }
0x156: {  	_ =	swait.ge [sflag:s4], $0x8000  }
0x157: {  	[sflag:s4] =	ssyncset.done $0x0  }
0x158: {  	[sflag:s4] =	ssyncadd.s32 $0xFFFF8000  }
0x159: {  	[tilespmem:s7], [sflag:$0x2] =	stream.indirect.gather [hbm4b:s3+s8], $0x80, s29, s8, $0xb8;
	[tilespmem:$0x10800] =	vst v63  }
0x15a: {  	_ = 	snop  }
0x15b: {  	[tilespmem:s12], [sflag:$0x2] =	stream.indirect.gather [hbm4b:s3+s8], $0x80, s28, s8, $0xb8;
	[tilespmem:$0x10800] =	vst v63  }
0x15c: {  	s29 =	rddreg [dreg:$0x8]  }
0x15d: {  	[hbm4b:s29+s2] =	stream.linear.scatter [tilespmem:s9], [sflag:$0x3], $0x8000, $0x38;
	[tilespmem:$0x10800] =	vst v63  }
0x15e: {  	_ =	swait.ge [sflag:s10], $0x4000  }
0x15f: {  	[sflag:s10] =	ssyncset.done $0x0  }
0x160: {  	[sflag:s10] =	ssyncadd.s32 $0xFFFFC000  }
0x161: {  	_ =	swait.ge [sflag:s10], $0x4000  }
0x162: {  	[sflag:s10] =	ssyncset.done $0x0  }
0x163: {  	[sflag:s10] =	ssyncadd.s32 $0xFFFFC000  }
0x164: {  	_ =	swait.ge [sflag:s4], $0x8000  }
0x165: {  	[sflag:s4] =	ssyncset.done $0x0  }
0x166: {  	[sflag:s4] =	ssyncadd.s32 $0xFFFF8000  }
0x167: {  	[tilespmem:s9], [sflag:$0x1] =	stream.indirect.gather [hbm4b:s3+s8], $0x80, s21, s8, $0xb8;
	[tilespmem:$0x10800] =	vst v63  }
0x168: {  	_ = 	snop  }
0x169: {  	[tilespmem:s16], [sflag:$0x1] =	stream.indirect.gather [hbm4b:s3+s8], $0x80, s26, s8, $0xb8;
	[tilespmem:$0x10800] =	vst v63  }
0x16a: {  	_ = 	snop  }
0x16b: {  	[hbm4b:s19+s2] =	stream.linear.scatter [tilespmem:s7], [sflag:$0x3], $0x8000, $0x38;
	[tilespmem:$0x10800] =	vst v63  }
0x16c: {  	_ =	swait.ge [sflag:s13], $0x4000  }
0x16d: {  	[sflag:s13] =	ssyncset.done $0x0  }
0x16e: {  	[sflag:s13] =	ssyncadd.s32 $0xFFFFC000  }
0x16f: {  	_ =	swait.ge [sflag:s13], $0x4000  }
0x170: {  	[sflag:s13] =	ssyncset.done $0x0  }
0x171: {  	[sflag:s13] =	ssyncadd.s32 $0xFFFFC000  }
0x172: {  	_ =	swait.ge [sflag:s4], $0x8000  }
0x173: {  	[sflag:s4] =	ssyncset.done $0x0  }
0x174: {  	[sflag:s4] =	ssyncadd.s32 $0xFFFF8000  }
0x175: {  	[tilespmem:s7], [sflag:$0x2] =	stream.indirect.gather [hbm4b:s3+s8], $0x80, s23, s8, $0xb8;
	[tilespmem:$0x10800] =	vst v63  }
0x176: {  	_ = 	snop  }
0x177: {  	[tilespmem:s12], [sflag:$0x2] =	stream.indirect.gather [hbm4b:s3+s8], $0x80, s24, s8, $0xb8;
	[tilespmem:$0x10800] =	vst v63  }
0x178: {  	_ = 	snop  }
0x179: {  	[hbm4b:s15+s2] =	stream.linear.scatter [tilespmem:s9], [sflag:$0x3], $0x8000, $0x38;
	[tilespmem:$0x10800] =	vst v63  }
0x17a: {  	_ =	swait.ge [sflag:s10], $0x4000  }
0x17b: {  	[sflag:s10] =	ssyncset.done $0x0  }
0x17c: {  	[sflag:s10] =	ssyncadd.s32 $0xFFFFC000  }
0x17d: {  	_ =	swait.ge [sflag:s10], $0x4000  }
0x17e: {  	[sflag:s10] =	ssyncset.done $0x0  }
0x17f: {  	[sflag:s10] =	ssyncadd.s32 $0xFFFFC000  }
0x180: {  	_ =	swait.ge [sflag:s4], $0x8000  }
0x181: {  	[sflag:s4] =	ssyncset.done $0x0  }
0x182: {  	[sflag:s4] =	ssyncadd.s32 $0xFFFF8000  }
0x183: {  	[tilespmem:s9], [sflag:$0x1] =	stream.indirect.gather [hbm4b:s3+s8], $0x80, s14, s8, $0xb8;
	[tilespmem:$0x10800] =	vst v63  }
0x184: {  	_ = 	snop  }
0x185: {  	[tilespmem:s16], [sflag:$0x1] =	stream.indirect.gather [hbm4b:s3+s8], $0x80, s22, s8, $0xb8;
	[tilespmem:$0x10800] =	vst v63  }
0x186: {  	_ = 	snop  }
0x187: {  	[hbm4b:s11+s2] =	stream.linear.scatter [tilespmem:s7], [sflag:$0x3], $0x8000, $0x38;
	[tilespmem:$0x10800] =	vst v63  }
0x188: {  	_ =	swait.ge [sflag:s13], $0x4000  }
0x189: {  	[sflag:s13] =	ssyncset.done $0x0  }
0x18a: {  	[sflag:s13] =	ssyncadd.s32 $0xFFFFC000  }
0x18b: {  	_ =	swait.ge [sflag:s13], $0x4000  }
0x18c: {  	[sflag:s13] =	ssyncset.done $0x0  }
0x18d: {  	[sflag:s13] =	ssyncadd.s32 $0xFFFFC000  }
0x18e: {  	_ =	swait.ge [sflag:s4], $0x8000  }
0x18f: {  	[sflag:s4] =	ssyncset.done $0x0  }
0x190: {  	[sflag:s4] =	ssyncadd.s32 $0xFFFF8000  }
0x191: {  	[tilespmem:s7], [sflag:$0x2] =	stream.indirect.gather [hbm4b:s3+s8], $0x80, s18, s8, $0xb8;
	[tilespmem:$0x10800] =	vst v63  }
0x192: {  	s30 =	simm.s32 $0x780  }
0x193: {  	[tilespmem:s12], [sflag:$0x2] =	stream.indirect.gather [hbm4b:s3+s8], $0x80, s30, s8, $0xb8;
	[tilespmem:$0x10800] =	vst v63  }
0x194: {  	_ = 	snop  }
0x195: {  	[hbm4b:s6+s2] =	stream.linear.scatter [tilespmem:s9], [sflag:$0x3], $0x8000, $0x38;
	[tilespmem:$0x10800] =	vst v63  }
0x196: {  	_ =	swait.ge [sflag:s10], $0x4000  }
0x197: {  	[sflag:s10] =	ssyncset.done $0x0  }
0x198: {  	[sflag:s10] =	ssyncadd.s32 $0xFFFFC000  }
0x199: {  	_ =	swait.ge [sflag:s10], $0x4000  }
0x19a: {  	[sflag:s10] =	ssyncset.done $0x0  }
0x19b: {  	[sflag:s10] =	ssyncadd.s32 $0xFFFFC000  }
0x19c: {  	[hbm4b:s5+s2] =	stream.linear.scatter [tilespmem:s7], [sflag:$0x3], $0x8000, $0x38;
	[tilespmem:$0x10800] =	vst v63  }
0x19d: {  	_ =	swait.ge [sflag:s4], $0x8000  }
0x19e: {  	[sflag:s4] =	ssyncset.done $0x0  }
0x19f: {  	[sflag:s4] =	ssyncadd.s32 $0xFFFF8000  }
0x1a0: {  	_ =	swait.ge [sflag:s4], $0x8000  }
0x1a1: {  	[sflag:s4] =	ssyncset.done $0x0  }
0x1a2: {  	[sflag:s4] =	ssyncadd.s32 $0xFFFF8000  }
0x1a3: {  	_ =	sfence.sel $0x180000  }
0x1a4: {  	s31 =	stileid.u32;
	[bflag:$0x0] =	sbarrier.arrive $0xFFFF  }
0x1a5: {  	p0 =	sne.s32 s31, $0x0;
	_ =	strace $0x90000047  }
0x1a6: {  	s0 =	sadd.s32 @!p0 $0x100000, s17;
	[bflag:$0x2] =	sbarrier.arrive $0xFFFF  }
0x1a7: {  	[sflag:s0] =	ssyncadd.tile.s32 @!p0 $0x1;
	_ =	shalt  }
.LBB2_1:
.Ltmp3:
0x1a8: {  	(pc) =	sbr.rel .LBB2_6-.Ltmp3, $4  }
0x1a9: {  	s20 =	simm.s32 $0x180  }
0x1aa: {  	s31 =	simm.s32 $0x100;
	s30 =	simm.s32 $0x280;
	s29 =	simm.s32 $0x300  }
0x1ab: {  	s28 =	simm.s32 $0x380;
	s26 =	simm.s32 $0x480;
	s24 =	simm.s32 $0x580  }
0x1ac: {  	s23 =	simm.s32 $0x500;
	s22 =	simm.s32 $0x680;
	s18 =	simm.s32 $0x700  }
.LBB2_3:
.Ltmp4:
0x1ad: {  	(pc) =	sbr.rel .LBB2_6-.Ltmp4, $4  }
0x1ae: {  	s20 =	simm.s32 $0x180;
	s31 =	simm.s32 $0x100  }
0x1af: {  	s30 =	simm.s32 $0x280;
	s29 =	simm.s32 $0x300;
	s28 =	simm.s32 $0x380  }
0x1b0: {  	s26 =	simm.s32 $0x480;
	s24 =	simm.s32 $0x580;
	s23 =	simm.s32 $0x500  }
0x1b1: {  	s22 =	simm.s32 $0x680;
	s18 =	simm.s32 $0x700;
	s17 =	rddreg [dreg:$0x1]  }
.Lfunc_end2:
_tile_overlayer_lowered:
.L_overlay_start_2:
0x1b2: {  	(tag) =	ssettag $0x2  }
0x1b3: {  	s0 =	rddreg [dreg:$0x0];
	s2 =	stileid.u32  }
0x1b4: {  	s1 =	rddreg [dreg:$0x1];
	p0 =	sne.s32 s2, $0x0  }
0x1b5: {  	s3 =	rddreg [dreg:$0x2];
	[bflag:$0x3] =	sbarrier.arrive $0xFFFF;
	s2 =	simm.s32 @!p0 $0x1C04  }
0x1b6: {  	[timem:s3], [sflag:s2] =	dma.local @!p0 [hbm:s0], s1  }
0x1b7: {  	s0 =	simm.s32 @!p0 $0x4  }
0x1b8: {  	_ =	swait.ge @!p0 [sflag:s0], s1  }
0x1b9: {  	s1 =	ssub.s32 @!p0 $0x0, s1;
	[sflag:s0] =	ssyncset.done @!p0 $0x0  }
0x1ba: {  	[sflag:s0] =	ssyncadd.s32 @!p0 s1  }
0x1bb: {  	[bflag:$0x3] =	sbarrier.arrive $0xFFFF  }
0x1bc: {  	_ =	shalt  }

</sc_bundles>
